<compile_context>
chip_gen: v7x
topology: tpu7x:2x2x1
jax: 0.10.2.dev20260603
libtpu: 0.0.44.dev20260713+nightly
codegen_flags: <defaults>
</compile_context>

<pallas_src>
import jax
import jax.numpy as jnp
from jax import lax
from jax.experimental import pallas as pl
from jax.experimental.pallas import tpu as pltpu
from jax.experimental.pallas import tpu_sc as plsc

_LANES = 16
_NC = 2
_NS = 16
_NW = _NC * _NS

_ROWS, _COLS = 4096, 4096
_SC_ROWS = 1024
_TC_ROWS = _ROWS - _SC_ROWS
_CROWS = 4
_TC_BLK = 256

_THR = (1.0, 2.5, 3.5, 4.5, 5.5, 7.0)
_VAL = (0.0, 2.0, 3.0, 4.0, 5.0, 6.0, 8.0)


def _select_chain(xv, tx, vx):
    r = vx[6]
    r = jnp.where(xv <= tx[5], vx[5], r)
    r = jnp.where(xv <= tx[4], vx[4], r)
    r = jnp.where(xv <= tx[3], vx[3], r)
    r = jnp.where(xv <= tx[2], vx[2], r)
    r = jnp.where(xv <= tx[1], vx[1], r)
    r = jnp.where(xv <= tx[0], vx[0], r)
    return r



_ROWS_PER_W = _SC_ROWS // _NW
_NCH = _ROWS_PER_W // _CROWS


def _sc_body(x_hbm, s_hbm, z_hbm, out_hbm,
             s_v, z_v, in0, in1, ou0, ou1, is0, is1, os0, os1):
    wid = lax.axis_index("s") * _NC + lax.axis_index("c")
    pltpu.sync_copy(s_hbm, s_v)
    pltpu.sync_copy(z_hbm, z_v)
    sv = s_v[...]
    zv = z_v[...]
    inv = jnp.float32(1.0) / sv
    zq = zv
    magic = jnp.full((_LANES,), 2.0 ** 23, jnp.float32)
    c0 = -zv * sv
    tx0 = (jnp.float32(1.0) - zv) * sv
    tx8 = (jnp.float32(7.0) - zv) * sv
    v8 = (jnp.float32(8.0) - zv) * sv
    rbase = wid * _ROWS_PER_W

    inb, oub = (in0, in1), (ou0, ou1)
    ise, ose = (is0, is1), (os0, os1)

    def start_in(g, b):
        pltpu.async_copy(x_hbm.at[pl.ds(rbase + g * _CROWS, _CROWS)],
                         inb[b], ise[b])

    def wait_in(b):
        pltpu.make_async_copy(x_hbm.at[pl.ds(rbase, _CROWS)],
                              inb[b], ise[b]).wait()

    def start_out(g, b):
        pltpu.async_copy(oub[b],
                         out_hbm.at[pl.ds(rbase + g * _CROWS, _CROWS)],
                         ose[b])

    def wait_out(b):
        pltpu.make_async_copy(oub[b],
                              out_hbm.at[pl.ds(rbase, _CROWS)],
                              ose[b]).wait()

    start_in(0, 0)
    start_in(1, 1)

    @pl.loop(0, _NCH, step=2)
    def _pair(g0):
        for b in (0, 1):
            g = g0 + b
            wait_in(b)

            @pl.when(g0 > 0)
            def _():
                wait_out(b)

            src, dst = inb[b], oub[b]

            for row in range(_CROWS):
                @plsc.parallel_loop(0, _COLS // _LANES, unroll=8)
                def _elems(i, row=row):
                    xv = src[row, pl.ds(i * _LANES, _LANES)]
                    q = xv * inv + zq
                    r = (q + magic) - magic
                    h = jnp.minimum(jnp.maximum(r, 2.0), 6.0)
                    o = h * sv + c0
                    o = jnp.where(xv <= tx0, c0, o)
                    o = jnp.where(xv > tx8, v8, o)
                    dst[row, pl.ds(i * _LANES, _LANES)] = o

            start_out(g, b)

            @pl.when(g + 2 < _NCH)
            def _():
                start_in(g + 2, b)

    wait_out(0)
    wait_out(1)


_sc_quantize = pl.kernel(
    _sc_body,
    out_type=jax.ShapeDtypeStruct((_SC_ROWS, _COLS), jnp.float32),
    mesh=plsc.VectorSubcoreMesh(
        core_axis_name="c", subcore_axis_name="s",
        num_cores=_NC, num_subcores=_NS,
    ),
    scratch_types=[
        pltpu.VMEM((_LANES,), jnp.float32),
        pltpu.VMEM((_LANES,), jnp.float32),
        pltpu.VMEM((_CROWS, _COLS), jnp.float32),
        pltpu.VMEM((_CROWS, _COLS), jnp.float32),
        pltpu.VMEM((_CROWS, _COLS), jnp.float32),
        pltpu.VMEM((_CROWS, _COLS), jnp.float32),
        pltpu.SemaphoreType.DMA,
        pltpu.SemaphoreType.DMA,
        pltpu.SemaphoreType.DMA,
        pltpu.SemaphoreType.DMA,
    ],
)




def _tc_body(s_ref, z_ref, x_ref, o_ref):
    sv = s_ref[0]
    zv = z_ref[0]
    tx = [(jnp.float32(t) - zv) * sv for t in _THR]
    vx = [(jnp.float32(v) - zv) * sv for v in _VAL]
    o_ref[...] = _select_chain(x_ref[...], tx, vx)


_TC_BLK0 = _SC_ROWS // _TC_BLK

_tc_quantize = pl.pallas_call(
    _tc_body,
    grid=(_TC_ROWS // _TC_BLK,),
    in_specs=[
        pl.BlockSpec(memory_space=pltpu.SMEM),
        pl.BlockSpec(memory_space=pltpu.SMEM),
        pl.BlockSpec((_TC_BLK, _COLS), lambda i: (i + _TC_BLK0, 0)),
    ],
    out_specs=pl.BlockSpec((_TC_BLK, _COLS), lambda i: (i + _TC_BLK0, 0)),
    out_shape=jax.ShapeDtypeStruct((_ROWS, _COLS), jnp.float32),
)


@jax.jit
def kernel(x, scale, zero):
    s = scale.astype(jnp.float32)
    z = zero.astype(jnp.float32)
    s16 = jnp.broadcast_to(s, (_LANES,))
    z16 = jnp.broadcast_to(z, (_LANES,))
    top = _sc_quantize(x, s16, z16)
    full = _tc_quantize(s, z, x)
    return lax.dynamic_update_slice(full, top, (0, 0))

# --- scband reference (transcript-rebuilt; emitter-appended) ---
"""Pipeline reference for scband-quantizer-fp4-46265387713199 (READ-ONLY COPY).

The authoritative reference and input builder live on the scoring server;
editing this copy changes nothing except your own understanding.
"""

import jax, jax.numpy as jnp
import numpy as np


def setup_inputs(seed: int = 0) -> dict:
    key = jax.random.key(seed)
    k1, k2, k3 = jax.random.split(key, 3)
    x = jax.random.normal(k1, (4096, 4096), dtype=jnp.float32)
    scale = jax.random.uniform(k2, (1,), dtype=jnp.float32)
    zero = jax.random.uniform(k3, (1,), dtype=jnp.float32)
    return {"x": x, "scale": scale, "zero": zero}


def reference(x, scale, zero):
    # fp4 code values, shifted by +4 (computed in fp16 as in the torch module)
    code = jnp.array([-4.0, -2.0, -1.0, -0.0, 0.0, 1.0, 2.0, 4.0], dtype=jnp.float16)
    code = code + jnp.float16(4.0)
    shape = x.shape
    q = x / scale + zero
    q = q.reshape(-1, 1)
    # |q - code| : broadcast [N,1] vs [8] -> [N,8]; fp16 code promotes to fp32
    distance = jnp.abs(q - code)
    idx = jnp.argmin(distance, axis=-1)
    q = jnp.take(code, idx, axis=0)  # gather nearest code value
    q = q.reshape(shape)
    xq = (q - zero) * scale
    return xq

if __name__ == "__main__":
    import jax
    _d = setup_inputs()
    print(jax.jit(kernel)(*tuple(_d.values())))

</pallas_src>

<mosaic_0001>
#map = affine_map<(d0, d1) -> (0, 0)>
#map1 = affine_map<(d0, d1) -> (0)>
module attributes {stable_mosaic.version = 14 : i64} {
  func.func @_sc_body(%arg0: i32, %arg1: i32, %arg2: memref<4096x4096xf32, #tpu.memory_space<hbm>>, %arg3: memref<16xf32, #tpu.memory_space<hbm>>, %arg4: memref<16xf32, #tpu.memory_space<hbm>>, %arg5: memref<1024x4096xf32, #tpu.memory_space<hbm>>, %arg6: memref<16xf32, #tpu.memory_space<vmem>>, %arg7: memref<16xf32, #tpu.memory_space<vmem>>, %arg8: memref<4x4096xf32, #tpu.memory_space<vmem>>, %arg9: memref<4x4096xf32, #tpu.memory_space<vmem>>, %arg10: memref<4x4096xf32, #tpu.memory_space<vmem>>, %arg11: memref<4x4096xf32, #tpu.memory_space<vmem>>, %arg12: memref<!tpu.dma_semaphore, #tpu.memory_space<semaphore_mem>>, %arg13: memref<!tpu.dma_semaphore, #tpu.memory_space<semaphore_mem>>, %arg14: memref<!tpu.dma_semaphore, #tpu.memory_space<semaphore_mem>>, %arg15: memref<!tpu.dma_semaphore, #tpu.memory_space<semaphore_mem>>) attributes {dimension_semantics = [#tpu.dimension_semantics<core_parallel>, #tpu.dimension_semantics<subcore_parallel>], iteration_bounds = array<i64: 2, 16>, scalar_prefetch = 0 : i64, scratch_operands = 10 : i64, tpu.core_type = #tpu.core_type<sc_vector_subcore>, window_params = [{transform_indices = #map}, {transform_indices = #map1}, {transform_indices = #map1}, {transform_indices = #map}]} {
    %mul3A = arith.constant 2 : i32
    %mul3A_0 = arith.muli %arg1, %mul3A : i32
    %add3A = arith.addi %mul3A_0, %arg0 : i32
    "tpu.region"() ({
      %run_scoped3A = tpu.sem_alloc : memref<!tpu.dma_semaphore, #tpu.memory_space<semaphore_mem>>
      tpu.enqueue_dma source(%arg3 : memref<16xf32, #tpu.memory_space<hbm>>) target(%arg6 : memref<16xf32, #tpu.memory_space<vmem>>) target_semaphore(%run_scoped3A : memref<!tpu.dma_semaphore, #tpu.memory_space<semaphore_mem>>)
      tpu.wait_dma2 semaphore(%run_scoped3A : memref<!tpu.dma_semaphore, #tpu.memory_space<semaphore_mem>>) src(%arg3 : memref<16xf32, #tpu.memory_space<hbm>>) dst(%arg6 : memref<16xf32, #tpu.memory_space<vmem>>)
      tpu.yield
    }) : () -> ()
    "tpu.region"() ({
      %run_scoped3A = tpu.sem_alloc : memref<!tpu.dma_semaphore, #tpu.memory_space<semaphore_mem>>
      tpu.enqueue_dma source(%arg4 : memref<16xf32, #tpu.memory_space<hbm>>) target(%arg7 : memref<16xf32, #tpu.memory_space<vmem>>) target_semaphore(%run_scoped3A : memref<!tpu.dma_semaphore, #tpu.memory_space<semaphore_mem>>)
      tpu.wait_dma2 semaphore(%run_scoped3A : memref<!tpu.dma_semaphore, #tpu.memory_space<semaphore_mem>>) src(%arg4 : memref<16xf32, #tpu.memory_space<hbm>>) dst(%arg7 : memref<16xf32, #tpu.memory_space<vmem>>)
      tpu.yield
    }) : () -> ()
    %get3A = arith.constant 0 : index
    %get3A_1 = tpu.vector_load %arg6[%get3A] {strides = array<i32>} : memref<16xf32, #tpu.memory_space<vmem>>, vector<16xf32>,
    %get3A_2 = vector.shape_cast %get3A_1 : vector<16xf32> to vector<16xf32>
    %get3A_3 = arith.constant 0 : index
    %get3A_4 = tpu.vector_load %arg7[%get3A_3] {strides = array<i32>} : memref<16xf32, #tpu.memory_space<vmem>>, vector<16xf32>,
    %get3A_5 = vector.shape_cast %get3A_4 : vector<16xf32> to vector<16xf32>
    %div3A = arith.constant 1.000000e+00 : f32
    %div3A_6 = vector.broadcast %div3A : f32 to vector<16xf32>
    %div3A_7 = arith.divf %div3A_6, %get3A_2 : vector<16xf32>
    %broadcast_in_dim3A = arith.constant 0x4B000000 : f32
    %broadcast_in_dim3A_8 = vector.broadcast %broadcast_in_dim3A : f32 to vector<16xf32>
    %neg3A = arith.constant 0.000000e+00 : f32
    %neg3A_9 = vector.broadcast %neg3A : f32 to vector<16xf32>
    %neg3A_10 = arith.subf %neg3A_9, %get3A_5 : vector<16xf32>
    %mul3A_11 = arith.mulf %neg3A_10, %get3A_2 : vector<16xf32>
    %sub3A = arith.constant 1.000000e+00 : f32
    %sub3A_12 = vector.broadcast %sub3A : f32 to vector<16xf32>
    %sub3A_13 = arith.subf %sub3A_12, %get3A_5 : vector<16xf32>
    %mul3A_14 = arith.mulf %sub3A_13, %get3A_2 : vector<16xf32>
    %sub3A_15 = arith.constant 7.000000e+00 : f32
    %sub3A_16 = vector.broadcast %sub3A_15 : f32 to vector<16xf32>
    %sub3A_17 = arith.subf %sub3A_16, %get3A_5 : vector<16xf32>
    %mul3A_18 = arith.mulf %sub3A_17, %get3A_2 : vector<16xf32>
    %sub3A_19 = arith.constant 8.000000e+00 : f32
    %sub3A_20 = vector.broadcast %sub3A_19 : f32 to vector<16xf32>
    %sub3A_21 = arith.subf %sub3A_20, %get3A_5 : vector<16xf32>
    %mul3A_22 = arith.mulf %sub3A_21, %get3A_2 : vector<16xf32>
    %mul3A_23 = arith.constant 32 : i32
    %mul3A_24 = arith.muli %add3A, %mul3A_23 : i32
    %add3A_25 = arith.constant 0 : i32
    %add3A_26 = arith.addi %mul3A_24, %add3A_25 : i32
    %dma_start3A = arith.constant 0 : i32
    %dma_start3A_27 = tpu.memref_slice %arg2[%add3A_26, %dma_start3A] : memref<4096x4096xf32, #tpu.memory_space<hbm>> -> memref<4x4096xf32, #tpu.memory_space<hbm>>
    %dma_start3A_28 = arith.constant 0 : i32
    %dma_start3A_29 = tpu.memref_slice %arg2[%add3A_26, %dma_start3A_28] : memref<4096x4096xf32, #tpu.memory_space<hbm>> -> memref<4x4096xf32, #tpu.memory_space<hbm>>
    tpu.enqueue_dma source(%dma_start3A_29 : memref<4x4096xf32, #tpu.memory_space<hbm>>) target(%arg8 : memref<4x4096xf32, #tpu.memory_space<vmem>>) target_semaphore(%arg12 : memref<!tpu.dma_semaphore, #tpu.memory_space<semaphore_mem>>)
    %add3A_30 = arith.constant 4 : i32
    %add3A_31 = arith.addi %mul3A_24, %add3A_30 : i32
    %dma_start3A_32 = arith.constant 0 : i32
    %dma_start3A_33 = tpu.memref_slice %arg2[%add3A_31, %dma_start3A_32] : memref<4096x4096xf32, #tpu.memory_space<hbm>> -> memref<4x4096xf32, #tpu.memory_space<hbm>>
    %dma_start3A_34 = arith.constant 0 : i32
    %dma_start3A_35 = tpu.memref_slice %arg2[%add3A_31, %dma_start3A_34] : memref<4096x4096xf32, #tpu.memory_space<hbm>> -> memref<4x4096xf32, #tpu.memory_space<hbm>>
    tpu.enqueue_dma source(%dma_start3A_35 : memref<4x4096xf32, #tpu.memory_space<hbm>>) target(%arg9 : memref<4x4096xf32, #tpu.memory_space<vmem>>) target_semaphore(%arg13 : memref<!tpu.dma_semaphore, #tpu.memory_space<semaphore_mem>>)
    %scan3A = arith.constant 0 : i32
    %scan3A_36 = arith.constant 4 : i32
    %scan3A_37 = arith.addi %scan3A, %scan3A_36 : i32
    %scan3A_38 = arith.constant 1 : i32
    scf.for %scan3A_47 = %scan3A to %scan3A_37 step %scan3A_38  : i32 {
      %mul3A_48 = arith.constant 2 : i32
      %mul3A_49 = arith.muli %scan3A_47, %mul3A_48 : i32
      %add3A_50 = arith.constant 0 : i32
      %add3A_51 = arith.addi %add3A_50, %mul3A_49 : i32
      %add3A_52 = arith.constant 0 : i32
      %add3A_53 = arith.addi %add3A_51, %add3A_52 : i32
      %dma_wait3A_54 = arith.constant 0 : i32
      %dma_wait3A_55 = tpu.memref_slice %arg2[%mul3A_24, %dma_wait3A_54] : memref<4096x4096xf32, #tpu.memory_space<hbm>> -> memref<4x4096xf32, #tpu.memory_space<hbm>>
      %dma_wait3A_56 = arith.constant 0 : i32
      %dma_wait3A_57 = tpu.memref_slice %arg2[%mul3A_24, %dma_wait3A_56] : memref<4096x4096xf32, #tpu.memory_space<hbm>> -> memref<4x4096xf32, #tpu.memory_space<hbm>>
      tpu.wait_dma2 semaphore(%arg12 : memref<!tpu.dma_semaphore, #tpu.memory_space<semaphore_mem>>) src(%dma_wait3A_57 : memref<4x4096xf32, #tpu.memory_space<hbm>>) dst(%arg8 : memref<4x4096xf32, #tpu.memory_space<vmem>>)
      %gt3A = arith.constant 0 : i32
      %gt3A_58 = arith.cmpi sgt, %add3A_51, %gt3A : i32
      %convert_element_type3A = arith.extui %gt3A_58 : i1 to i32
      %cond3A = arith.constant 0 : i32
      %cond3A_59 = arith.cmpi ne, %convert_element_type3A, %cond3A : i32
      scf.if %cond3A_59 {
        %dma_wait3A_121 = arith.constant 0 : i32
        %dma_wait3A_122 = tpu.memref_slice %arg5[%mul3A_24, %dma_wait3A_121] : memref<1024x4096xf32, #tpu.memory_space<hbm>> -> memref<4x4096xf32, #tpu.memory_space<hbm>>
        %dma_wait3A_123 = arith.constant 0 : i32
        %dma_wait3A_124 = tpu.memref_slice %arg5[%mul3A_24, %dma_wait3A_123] : memref<1024x4096xf32, #tpu.memory_space<hbm>> -> memref<4x4096xf32, #tpu.memory_space<hbm>>
        tpu.wait_dma2 semaphore(%arg14 : memref<!tpu.dma_semaphore, #tpu.memory_space<semaphore_mem>>) src(%arg10 : memref<4x4096xf32, #tpu.memory_space<vmem>>) dst(%dma_wait3A_124 : memref<4x4096xf32, #tpu.memory_space<hbm>>)
      } else {
      }
      %parallel_loop3A = arith.constant 0 : i32
      %parallel_loop3A_60 = arith.constant 256 : i32
      %parallel_loop3A_61 = arith.constant 1 : i32
      scf.for %parallel_loop3A_121 = %parallel_loop3A to %parallel_loop3A_60 step %parallel_loop3A_61  : i32 {
        %parallel_loop3A_122 = arith.constant 16 : i32
        %parallel_loop3A_123 = arith.muli %parallel_loop3A_121, %parallel_loop3A_122 : i32
        %parallel_loop3A_124 = arith.constant 0 : i32
        %parallel_loop3A_125 = arith.index_cast %parallel_loop3A_124 : i32 to index
        %parallel_loop3A_126 = arith.index_cast %parallel_loop3A_123 : i32 to index
        %parallel_loop3A_127 = tpu.vector_load %arg8[%parallel_loop3A_125, %parallel_loop3A_126] {strides = array<i32>} : memref<4x4096xf32, #tpu.memory_space<vmem>>, vector<1x16xf32>,
        %parallel_loop3A_128 = vector.shape_cast %parallel_loop3A_127 : vector<1x16xf32> to vector<16xf32>
        %parallel_loop3A_129 = arith.mulf %parallel_loop3A_128, %div3A_7 : vector<16xf32>
        %parallel_loop3A_130 = arith.addf %parallel_loop3A_129, %get3A_5 : vector<16xf32>
        %parallel_loop3A_131 = arith.addf %parallel_loop3A_130, %broadcast_in_dim3A_8 : vector<16xf32>
        %parallel_loop3A_132 = arith.subf %parallel_loop3A_131, %broadcast_in_dim3A_8 : vector<16xf32>
        %parallel_loop3A_133 = arith.constant 2.000000e+00 : f32
        %parallel_loop3A_134 = vector.broadcast %parallel_loop3A_133 : f32 to vector<16xf32>
        %parallel_loop3A_135 = arith.maximumf %parallel_loop3A_132, %parallel_loop3A_134 : vector<16xf32>
        %parallel_loop3A_136 = arith.constant 6.000000e+00 : f32
        %parallel_loop3A_137 = vector.broadcast %parallel_loop3A_136 : f32 to vector<16xf32>
        %parallel_loop3A_138 = arith.minimumf %parallel_loop3A_135, %parallel_loop3A_137 : vector<16xf32>
        %parallel_loop3A_139 = arith.mulf %parallel_loop3A_138, %get3A_2 : vector<16xf32>
        %parallel_loop3A_140 = arith.addf %parallel_loop3A_139, %mul3A_11 : vector<16xf32>
        %parallel_loop3A_141 = arith.cmpf ole, %parallel_loop3A_128, %mul3A_14 : vector<16xf32>
        %parallel_loop3A_142 = arith.select %parallel_loop3A_141, %mul3A_11, %parallel_loop3A_140 : vector<16xi1>, vector<16xf32>
        %parallel_loop3A_143 = arith.cmpf ogt, %parallel_loop3A_128, %mul3A_18 : vector<16xf32>
        %parallel_loop3A_144 = arith.select %parallel_loop3A_143, %mul3A_22, %parallel_loop3A_142 : vector<16xi1>, vector<16xf32>
        %parallel_loop3A_145 = arith.constant 16 : i32
        %parallel_loop3A_146 = arith.muli %parallel_loop3A_121, %parallel_loop3A_145 : i32
        %parallel_loop3A_147 = arith.constant 0 : i32
        %parallel_loop3A_148 = arith.index_cast %parallel_loop3A_147 : i32 to index
        %parallel_loop3A_149 = arith.index_cast %parallel_loop3A_146 : i32 to index
        %parallel_loop3A_150 = tpu.vector_load %arg10[%parallel_loop3A_148, %parallel_loop3A_149] {strides = array<i32>} : memref<4x4096xf32, #tpu.memory_space<vmem>>, vector<1x16xf32>,
        %parallel_loop3A_151 = vector.shape_cast %parallel_loop3A_150 : vector<1x16xf32> to vector<16xf32>
        %parallel_loop3A_152 = vector.shape_cast %parallel_loop3A_144 : vector<16xf32> to vector<1x16xf32>
        tpu.vector_store %arg10[%parallel_loop3A_148, %parallel_loop3A_149], %parallel_loop3A_152 {strides = array<i32>} : memref<4x4096xf32, #tpu.memory_space<vmem>>, vector<1x16xf32>,
      } {sc.loop_unroll_factor = 8 : i64, sc.parallel_access}
      %parallel_loop3A_62 = arith.constant 0 : i32
      %parallel_loop3A_63 = arith.constant 256 : i32
      %parallel_loop3A_64 = arith.constant 1 : i32
      scf.for %parallel_loop3A_121 = %parallel_loop3A_62 to %parallel_loop3A_63 step %parallel_loop3A_64  : i32 {
        %parallel_loop3A_122 = arith.constant 16 : i32
        %parallel_loop3A_123 = arith.muli %parallel_loop3A_121, %parallel_loop3A_122 : i32
        %parallel_loop3A_124 = arith.constant 1 : i32
        %parallel_loop3A_125 = arith.index_cast %parallel_loop3A_124 : i32 to index
        %parallel_loop3A_126 = arith.index_cast %parallel_loop3A_123 : i32 to index
        %parallel_loop3A_127 = tpu.vector_load %arg8[%parallel_loop3A_125, %parallel_loop3A_126] {strides = array<i32>} : memref<4x4096xf32, #tpu.memory_space<vmem>>, vector<1x16xf32>,
        %parallel_loop3A_128 = vector.shape_cast %parallel_loop3A_127 : vector<1x16xf32> to vector<16xf32>
        %parallel_loop3A_129 = arith.mulf %parallel_loop3A_128, %div3A_7 : vector<16xf32>
        %parallel_loop3A_130 = arith.addf %parallel_loop3A_129, %get3A_5 : vector<16xf32>
        %parallel_loop3A_131 = arith.addf %parallel_loop3A_130, %broadcast_in_dim3A_8 : vector<16xf32>
        %parallel_loop3A_132 = arith.subf %parallel_loop3A_131, %broadcast_in_dim3A_8 : vector<16xf32>
        %parallel_loop3A_133 = arith.constant 2.000000e+00 : f32
        %parallel_loop3A_134 = vector.broadcast %parallel_loop3A_133 : f32 to vector<16xf32>
        %parallel_loop3A_135 = arith.maximumf %parallel_loop3A_132, %parallel_loop3A_134 : vector<16xf32>
        %parallel_loop3A_136 = arith.constant 6.000000e+00 : f32
        %parallel_loop3A_137 = vector.broadcast %parallel_loop3A_136 : f32 to vector<16xf32>
        %parallel_loop3A_138 = arith.minimumf %parallel_loop3A_135, %parallel_loop3A_137 : vector<16xf32>
        %parallel_loop3A_139 = arith.mulf %parallel_loop3A_138, %get3A_2 : vector<16xf32>
        %parallel_loop3A_140 = arith.addf %parallel_loop3A_139, %mul3A_11 : vector<16xf32>
        %parallel_loop3A_141 = arith.cmpf ole, %parallel_loop3A_128, %mul3A_14 : vector<16xf32>
        %parallel_loop3A_142 = arith.select %parallel_loop3A_141, %mul3A_11, %parallel_loop3A_140 : vector<16xi1>, vector<16xf32>
        %parallel_loop3A_143 = arith.cmpf ogt, %parallel_loop3A_128, %mul3A_18 : vector<16xf32>
        %parallel_loop3A_144 = arith.select %parallel_loop3A_143, %mul3A_22, %parallel_loop3A_142 : vector<16xi1>, vector<16xf32>
        %parallel_loop3A_145 = arith.constant 16 : i32
        %parallel_loop3A_146 = arith.muli %parallel_loop3A_121, %parallel_loop3A_145 : i32
        %parallel_loop3A_147 = arith.constant 1 : i32
        %parallel_loop3A_148 = arith.index_cast %parallel_loop3A_147 : i32 to index
        %parallel_loop3A_149 = arith.index_cast %parallel_loop3A_146 : i32 to index
        %parallel_loop3A_150 = tpu.vector_load %arg10[%parallel_loop3A_148, %parallel_loop3A_149] {strides = array<i32>} : memref<4x4096xf32, #tpu.memory_space<vmem>>, vector<1x16xf32>,
        %parallel_loop3A_151 = vector.shape_cast %parallel_loop3A_150 : vector<1x16xf32> to vector<16xf32>
        %parallel_loop3A_152 = vector.shape_cast %parallel_loop3A_144 : vector<16xf32> to vector<1x16xf32>
        tpu.vector_store %arg10[%parallel_loop3A_148, %parallel_loop3A_149], %parallel_loop3A_152 {strides = array<i32>} : memref<4x4096xf32, #tpu.memory_space<vmem>>, vector<1x16xf32>,
      } {sc.loop_unroll_factor = 8 : i64, sc.parallel_access}
      %parallel_loop3A_65 = arith.constant 0 : i32
      %parallel_loop3A_66 = arith.constant 256 : i32
      %parallel_loop3A_67 = arith.constant 1 : i32
      scf.for %parallel_loop3A_121 = %parallel_loop3A_65 to %parallel_loop3A_66 step %parallel_loop3A_67  : i32 {
        %parallel_loop3A_122 = arith.constant 16 : i32
        %parallel_loop3A_123 = arith.muli %parallel_loop3A_121, %parallel_loop3A_122 : i32
        %parallel_loop3A_124 = arith.constant 2 : i32
        %parallel_loop3A_125 = arith.index_cast %parallel_loop3A_124 : i32 to index
        %parallel_loop3A_126 = arith.index_cast %parallel_loop3A_123 : i32 to index
        %parallel_loop3A_127 = tpu.vector_load %arg8[%parallel_loop3A_125, %parallel_loop3A_126] {strides = array<i32>} : memref<4x4096xf32, #tpu.memory_space<vmem>>, vector<1x16xf32>,
        %parallel_loop3A_128 = vector.shape_cast %parallel_loop3A_127 : vector<1x16xf32> to vector<16xf32>
        %parallel_loop3A_129 = arith.mulf %parallel_loop3A_128, %div3A_7 : vector<16xf32>
        %parallel_loop3A_130 = arith.addf %parallel_loop3A_129, %get3A_5 : vector<16xf32>
        %parallel_loop3A_131 = arith.addf %parallel_loop3A_130, %broadcast_in_dim3A_8 : vector<16xf32>
        %parallel_loop3A_132 = arith.subf %parallel_loop3A_131, %broadcast_in_dim3A_8 : vector<16xf32>
        %parallel_loop3A_133 = arith.constant 2.000000e+00 : f32
        %parallel_loop3A_134 = vector.broadcast %parallel_loop3A_133 : f32 to vector<16xf32>
        %parallel_loop3A_135 = arith.maximumf %parallel_loop3A_132, %parallel_loop3A_134 : vector<16xf32>
        %parallel_loop3A_136 = arith.constant 6.000000e+00 : f32
        %parallel_loop3A_137 = vector.broadcast %parallel_loop3A_136 : f32 to vector<16xf32>
        %parallel_loop3A_138 = arith.minimumf %parallel_loop3A_135, %parallel_loop3A_137 : vector<16xf32>
        %parallel_loop3A_139 = arith.mulf %parallel_loop3A_138, %get3A_2 : vector<16xf32>
        %parallel_loop3A_140 = arith.addf %parallel_loop3A_139, %mul3A_11 : vector<16xf32>
        %parallel_loop3A_141 = arith.cmpf ole, %parallel_loop3A_128, %mul3A_14 : vector<16xf32>
        %parallel_loop3A_142 = arith.select %parallel_loop3A_141, %mul3A_11, %parallel_loop3A_140 : vector<16xi1>, vector<16xf32>
        %parallel_loop3A_143 = arith.cmpf ogt, %parallel_loop3A_128, %mul3A_18 : vector<16xf32>
        %parallel_loop3A_144 = arith.select %parallel_loop3A_143, %mul3A_22, %parallel_loop3A_142 : vector<16xi1>, vector<16xf32>
        %parallel_loop3A_145 = arith.constant 16 : i32
        %parallel_loop3A_146 = arith.muli %parallel_loop3A_121, %parallel_loop3A_145 : i32
        %parallel_loop3A_147 = arith.constant 2 : i32
        %parallel_loop3A_148 = arith.index_cast %parallel_loop3A_147 : i32 to index
        %parallel_loop3A_149 = arith.index_cast %parallel_loop3A_146 : i32 to index
        %parallel_loop3A_150 = tpu.vector_load %arg10[%parallel_loop3A_148, %parallel_loop3A_149] {strides = array<i32>} : memref<4x4096xf32, #tpu.memory_space<vmem>>, vector<1x16xf32>,
        %parallel_loop3A_151 = vector.shape_cast %parallel_loop3A_150 : vector<1x16xf32> to vector<16xf32>
        %parallel_loop3A_152 = vector.shape_cast %parallel_loop3A_144 : vector<16xf32> to vector<1x16xf32>
        tpu.vector_store %arg10[%parallel_loop3A_148, %parallel_loop3A_149], %parallel_loop3A_152 {strides = array<i32>} : memref<4x4096xf32, #tpu.memory_space<vmem>>, vector<1x16xf32>,
      } {sc.loop_unroll_factor = 8 : i64, sc.parallel_access}
      %parallel_loop3A_68 = arith.constant 0 : i32
      %parallel_loop3A_69 = arith.constant 256 : i32
      %parallel_loop3A_70 = arith.constant 1 : i32
      scf.for %parallel_loop3A_121 = %parallel_loop3A_68 to %parallel_loop3A_69 step %parallel_loop3A_70  : i32 {
        %parallel_loop3A_122 = arith.constant 16 : i32
        %parallel_loop3A_123 = arith.muli %parallel_loop3A_121, %parallel_loop3A_122 : i32
        %parallel_loop3A_124 = arith.constant 3 : i32
        %parallel_loop3A_125 = arith.index_cast %parallel_loop3A_124 : i32 to index
        %parallel_loop3A_126 = arith.index_cast %parallel_loop3A_123 : i32 to index
        %parallel_loop3A_127 = tpu.vector_load %arg8[%parallel_loop3A_125, %parallel_loop3A_126] {strides = array<i32>} : memref<4x4096xf32, #tpu.memory_space<vmem>>, vector<1x16xf32>,
        %parallel_loop3A_128 = vector.shape_cast %parallel_loop3A_127 : vector<1x16xf32> to vector<16xf32>
        %parallel_loop3A_129 = arith.mulf %parallel_loop3A_128, %div3A_7 : vector<16xf32>
        %parallel_loop3A_130 = arith.addf %parallel_loop3A_129, %get3A_5 : vector<16xf32>
        %parallel_loop3A_131 = arith.addf %parallel_loop3A_130, %broadcast_in_dim3A_8 : vector<16xf32>
        %parallel_loop3A_132 = arith.subf %parallel_loop3A_131, %broadcast_in_dim3A_8 : vector<16xf32>
        %parallel_loop3A_133 = arith.constant 2.000000e+00 : f32
        %parallel_loop3A_134 = vector.broadcast %parallel_loop3A_133 : f32 to vector<16xf32>
        %parallel_loop3A_135 = arith.maximumf %parallel_loop3A_132, %parallel_loop3A_134 : vector<16xf32>
        %parallel_loop3A_136 = arith.constant 6.000000e+00 : f32
        %parallel_loop3A_137 = vector.broadcast %parallel_loop3A_136 : f32 to vector<16xf32>
        %parallel_loop3A_138 = arith.minimumf %parallel_loop3A_135, %parallel_loop3A_137 : vector<16xf32>
        %parallel_loop3A_139 = arith.mulf %parallel_loop3A_138, %get3A_2 : vector<16xf32>
        %parallel_loop3A_140 = arith.addf %parallel_loop3A_139, %mul3A_11 : vector<16xf32>
        %parallel_loop3A_141 = arith.cmpf ole, %parallel_loop3A_128, %mul3A_14 : vector<16xf32>
        %parallel_loop3A_142 = arith.select %parallel_loop3A_141, %mul3A_11, %parallel_loop3A_140 : vector<16xi1>, vector<16xf32>
        %parallel_loop3A_143 = arith.cmpf ogt, %parallel_loop3A_128, %mul3A_18 : vector<16xf32>
        %parallel_loop3A_144 = arith.select %parallel_loop3A_143, %mul3A_22, %parallel_loop3A_142 : vector<16xi1>, vector<16xf32>
        %parallel_loop3A_145 = arith.constant 16 : i32
        %parallel_loop3A_146 = arith.muli %parallel_loop3A_121, %parallel_loop3A_145 : i32
        %parallel_loop3A_147 = arith.constant 3 : i32
        %parallel_loop3A_148 = arith.index_cast %parallel_loop3A_147 : i32 to index
        %parallel_loop3A_149 = arith.index_cast %parallel_loop3A_146 : i32 to index
        %parallel_loop3A_150 = tpu.vector_load %arg10[%parallel_loop3A_148, %parallel_loop3A_149] {strides = array<i32>} : memref<4x4096xf32, #tpu.memory_space<vmem>>, vector<1x16xf32>,
        %parallel_loop3A_151 = vector.shape_cast %parallel_loop3A_150 : vector<1x16xf32> to vector<16xf32>
        %parallel_loop3A_152 = vector.shape_cast %parallel_loop3A_144 : vector<16xf32> to vector<1x16xf32>
        tpu.vector_store %arg10[%parallel_loop3A_148, %parallel_loop3A_149], %parallel_loop3A_152 {strides = array<i32>} : memref<4x4096xf32, #tpu.memory_space<vmem>>, vector<1x16xf32>,
      } {sc.loop_unroll_factor = 8 : i64, sc.parallel_access}
      %mul3A_71 = arith.constant 4 : i32
      %mul3A_72 = arith.muli %add3A_53, %mul3A_71 : i32
      %add3A_73 = arith.addi %mul3A_24, %mul3A_72 : i32
      %dma_start3A_74 = arith.constant 0 : i32
      %dma_start3A_75 = tpu.memref_slice %arg5[%add3A_73, %dma_start3A_74] : memref<1024x4096xf32, #tpu.memory_space<hbm>> -> memref<4x4096xf32, #tpu.memory_space<hbm>>
      %dma_start3A_76 = arith.constant 0 : i32
      %dma_start3A_77 = tpu.memref_slice %arg5[%add3A_73, %dma_start3A_76] : memref<1024x4096xf32, #tpu.memory_space<hbm>> -> memref<4x4096xf32, #tpu.memory_space<hbm>>
      tpu.enqueue_dma source(%arg10 : memref<4x4096xf32, #tpu.memory_space<vmem>>) target(%dma_start3A_77 : memref<4x4096xf32, #tpu.memory_space<hbm>>) target_semaphore(%arg14 : memref<!tpu.dma_semaphore, #tpu.memory_space<semaphore_mem>>)
      %add3A_78 = arith.constant 2 : i32
      %add3A_79 = arith.addi %add3A_53, %add3A_78 : i32
      %lt3A = arith.constant 8 : i32
      %lt3A_80 = arith.cmpi slt, %add3A_79, %lt3A : i32
      %convert_element_type3A_81 = arith.extui %lt3A_80 : i1 to i32
      %cond3A_82 = arith.constant 0 : i32
      %cond3A_83 = arith.cmpi ne, %convert_element_type3A_81, %cond3A_82 : i32
      scf.if %cond3A_83 {
        %add3A_121 = arith.constant 2 : i32
        %add3A_122 = arith.addi %add3A_53, %add3A_121 : i32
        %mul3A_123 = arith.constant 4 : i32
        %mul3A_124 = arith.muli %add3A_122, %mul3A_123 : i32
        %add3A_125 = arith.addi %mul3A_24, %mul3A_124 : i32
        %dma_start3A_126 = arith.constant 0 : i32
        %dma_start3A_127 = tpu.memref_slice %arg2[%add3A_125, %dma_start3A_126] : memref<4096x4096xf32, #tpu.memory_space<hbm>> -> memref<4x4096xf32, #tpu.memory_space<hbm>>
        %dma_start3A_128 = arith.constant 0 : i32
        %dma_start3A_129 = tpu.memref_slice %arg2[%add3A_125, %dma_start3A_128] : memref<4096x4096xf32, #tpu.memory_space<hbm>> -> memref<4x4096xf32, #tpu.memory_space<hbm>>
        tpu.enqueue_dma source(%dma_start3A_129 : memref<4x4096xf32, #tpu.memory_space<hbm>>) target(%arg8 : memref<4x4096xf32, #tpu.memory_space<vmem>>) target_semaphore(%arg12 : memref<!tpu.dma_semaphore, #tpu.memory_space<semaphore_mem>>)
      } else {
      }
      %add3A_84 = arith.constant 1 : i32
      %add3A_85 = arith.addi %add3A_51, %add3A_84 : i32
      %dma_wait3A_86 = arith.constant 0 : i32
      %dma_wait3A_87 = tpu.memref_slice %arg2[%mul3A_24, %dma_wait3A_86] : memref<4096x4096xf32, #tpu.memory_space<hbm>> -> memref<4x4096xf32, #tpu.memory_space<hbm>>
      %dma_wait3A_88 = arith.constant 0 : i32
      %dma_wait3A_89 = tpu.memref_slice %arg2[%mul3A_24, %dma_wait3A_88] : memref<4096x4096xf32, #tpu.memory_space<hbm>> -> memref<4x4096xf32, #tpu.memory_space<hbm>>
      tpu.wait_dma2 semaphore(%arg13 : memref<!tpu.dma_semaphore, #tpu.memory_space<semaphore_mem>>) src(%dma_wait3A_89 : memref<4x4096xf32, #tpu.memory_space<hbm>>) dst(%arg9 : memref<4x4096xf32, #tpu.memory_space<vmem>>)
      %gt3A_90 = arith.constant 0 : i32
      %gt3A_91 = arith.cmpi sgt, %add3A_51, %gt3A_90 : i32
      %convert_element_type3A_92 = arith.extui %gt3A_91 : i1 to i32
      %cond3A_93 = arith.constant 0 : i32
      %cond3A_94 = arith.cmpi ne, %convert_element_type3A_92, %cond3A_93 : i32
      scf.if %cond3A_94 {
        %dma_wait3A_121 = arith.constant 0 : i32
        %dma_wait3A_122 = tpu.memref_slice %arg5[%mul3A_24, %dma_wait3A_121] : memref<1024x4096xf32, #tpu.memory_space<hbm>> -> memref<4x4096xf32, #tpu.memory_space<hbm>>
        %dma_wait3A_123 = arith.constant 0 : i32
        %dma_wait3A_124 = tpu.memref_slice %arg5[%mul3A_24, %dma_wait3A_123] : memref<1024x4096xf32, #tpu.memory_space<hbm>> -> memref<4x4096xf32, #tpu.memory_space<hbm>>
        tpu.wait_dma2 semaphore(%arg15 : memref<!tpu.dma_semaphore, #tpu.memory_space<semaphore_mem>>) src(%arg11 : memref<4x4096xf32, #tpu.memory_space<vmem>>) dst(%dma_wait3A_124 : memref<4x4096xf32, #tpu.memory_space<hbm>>)
      } else {
      }
      %parallel_loop3A_95 = arith.constant 0 : i32
      %parallel_loop3A_96 = arith.constant 256 : i32
      %parallel_loop3A_97 = arith.constant 1 : i32
      scf.for %parallel_loop3A_121 = %parallel_loop3A_95 to %parallel_loop3A_96 step %parallel_loop3A_97  : i32 {
        %parallel_loop3A_122 = arith.constant 16 : i32
        %parallel_loop3A_123 = arith.muli %parallel_loop3A_121, %parallel_loop3A_122 : i32
        %parallel_loop3A_124 = arith.constant 0 : i32
        %parallel_loop3A_125 = arith.index_cast %parallel_loop3A_124 : i32 to index
        %parallel_loop3A_126 = arith.index_cast %parallel_loop3A_123 : i32 to index
        %parallel_loop3A_127 = tpu.vector_load %arg9[%parallel_loop3A_125, %parallel_loop3A_126] {strides = array<i32>} : memref<4x4096xf32, #tpu.memory_space<vmem>>, vector<1x16xf32>,
        %parallel_loop3A_128 = vector.shape_cast %parallel_loop3A_127 : vector<1x16xf32> to vector<16xf32>
        %parallel_loop3A_129 = arith.mulf %parallel_loop3A_128, %div3A_7 : vector<16xf32>
        %parallel_loop3A_130 = arith.addf %parallel_loop3A_129, %get3A_5 : vector<16xf32>
        %parallel_loop3A_131 = arith.addf %parallel_loop3A_130, %broadcast_in_dim3A_8 : vector<16xf32>
        %parallel_loop3A_132 = arith.subf %parallel_loop3A_131, %broadcast_in_dim3A_8 : vector<16xf32>
        %parallel_loop3A_133 = arith.constant 2.000000e+00 : f32
        %parallel_loop3A_134 = vector.broadcast %parallel_loop3A_133 : f32 to vector<16xf32>
        %parallel_loop3A_135 = arith.maximumf %parallel_loop3A_132, %parallel_loop3A_134 : vector<16xf32>
        %parallel_loop3A_136 = arith.constant 6.000000e+00 : f32
        %parallel_loop3A_137 = vector.broadcast %parallel_loop3A_136 : f32 to vector<16xf32>
        %parallel_loop3A_138 = arith.minimumf %parallel_loop3A_135, %parallel_loop3A_137 : vector<16xf32>
        %parallel_loop3A_139 = arith.mulf %parallel_loop3A_138, %get3A_2 : vector<16xf32>
        %parallel_loop3A_140 = arith.addf %parallel_loop3A_139, %mul3A_11 : vector<16xf32>
        %parallel_loop3A_141 = arith.cmpf ole, %parallel_loop3A_128, %mul3A_14 : vector<16xf32>
        %parallel_loop3A_142 = arith.select %parallel_loop3A_141, %mul3A_11, %parallel_loop3A_140 : vector<16xi1>, vector<16xf32>
        %parallel_loop3A_143 = arith.cmpf ogt, %parallel_loop3A_128, %mul3A_18 : vector<16xf32>
        %parallel_loop3A_144 = arith.select %parallel_loop3A_143, %mul3A_22, %parallel_loop3A_142 : vector<16xi1>, vector<16xf32>
        %parallel_loop3A_145 = arith.constant 16 : i32
        %parallel_loop3A_146 = arith.muli %parallel_loop3A_121, %parallel_loop3A_145 : i32
        %parallel_loop3A_147 = arith.constant 0 : i32
        %parallel_loop3A_148 = arith.index_cast %parallel_loop3A_147 : i32 to index
        %parallel_loop3A_149 = arith.index_cast %parallel_loop3A_146 : i32 to index
        %parallel_loop3A_150 = tpu.vector_load %arg11[%parallel_loop3A_148, %parallel_loop3A_149] {strides = array<i32>} : memref<4x4096xf32, #tpu.memory_space<vmem>>, vector<1x16xf32>,
        %parallel_loop3A_151 = vector.shape_cast %parallel_loop3A_150 : vector<1x16xf32> to vector<16xf32>
        %parallel_loop3A_152 = vector.shape_cast %parallel_loop3A_144 : vector<16xf32> to vector<1x16xf32>
        tpu.vector_store %arg11[%parallel_loop3A_148, %parallel_loop3A_149], %parallel_loop3A_152 {strides = array<i32>} : memref<4x4096xf32, #tpu.memory_space<vmem>>, vector<1x16xf32>,
      } {sc.loop_unroll_factor = 8 : i64, sc.parallel_access}
      %parallel_loop3A_98 = arith.constant 0 : i32
      %parallel_loop3A_99 = arith.constant 256 : i32
      %parallel_loop3A_100 = arith.constant 1 : i32
      scf.for %parallel_loop3A_121 = %parallel_loop3A_98 to %parallel_loop3A_99 step %parallel_loop3A_100  : i32 {
        %parallel_loop3A_122 = arith.constant 16 : i32
        %parallel_loop3A_123 = arith.muli %parallel_loop3A_121, %parallel_loop3A_122 : i32
        %parallel_loop3A_124 = arith.constant 1 : i32
        %parallel_loop3A_125 = arith.index_cast %parallel_loop3A_124 : i32 to index
        %parallel_loop3A_126 = arith.index_cast %parallel_loop3A_123 : i32 to index
        %parallel_loop3A_127 = tpu.vector_load %arg9[%parallel_loop3A_125, %parallel_loop3A_126] {strides = array<i32>} : memref<4x4096xf32, #tpu.memory_space<vmem>>, vector<1x16xf32>,
        %parallel_loop3A_128 = vector.shape_cast %parallel_loop3A_127 : vector<1x16xf32> to vector<16xf32>
        %parallel_loop3A_129 = arith.mulf %parallel_loop3A_128, %div3A_7 : vector<16xf32>
        %parallel_loop3A_130 = arith.addf %parallel_loop3A_129, %get3A_5 : vector<16xf32>
        %parallel_loop3A_131 = arith.addf %parallel_loop3A_130, %broadcast_in_dim3A_8 : vector<16xf32>
        %parallel_loop3A_132 = arith.subf %parallel_loop3A_131, %broadcast_in_dim3A_8 : vector<16xf32>
        %parallel_loop3A_133 = arith.constant 2.000000e+00 : f32
        %parallel_loop3A_134 = vector.broadcast %parallel_loop3A_133 : f32 to vector<16xf32>
        %parallel_loop3A_135 = arith.maximumf %parallel_loop3A_132, %parallel_loop3A_134 : vector<16xf32>
        %parallel_loop3A_136 = arith.constant 6.000000e+00 : f32
        %parallel_loop3A_137 = vector.broadcast %parallel_loop3A_136 : f32 to vector<16xf32>
        %parallel_loop3A_138 = arith.minimumf %parallel_loop3A_135, %parallel_loop3A_137 : vector<16xf32>
        %parallel_loop3A_139 = arith.mulf %parallel_loop3A_138, %get3A_2 : vector<16xf32>
        %parallel_loop3A_140 = arith.addf %parallel_loop3A_139, %mul3A_11 : vector<16xf32>
        %parallel_loop3A_141 = arith.cmpf ole, %parallel_loop3A_128, %mul3A_14 : vector<16xf32>
        %parallel_loop3A_142 = arith.select %parallel_loop3A_141, %mul3A_11, %parallel_loop3A_140 : vector<16xi1>, vector<16xf32>
        %parallel_loop3A_143 = arith.cmpf ogt, %parallel_loop3A_128, %mul3A_18 : vector<16xf32>
        %parallel_loop3A_144 = arith.select %parallel_loop3A_143, %mul3A_22, %parallel_loop3A_142 : vector<16xi1>, vector<16xf32>
        %parallel_loop3A_145 = arith.constant 16 : i32
        %parallel_loop3A_146 = arith.muli %parallel_loop3A_121, %parallel_loop3A_145 : i32
        %parallel_loop3A_147 = arith.constant 1 : i32
        %parallel_loop3A_148 = arith.index_cast %parallel_loop3A_147 : i32 to index
        %parallel_loop3A_149 = arith.index_cast %parallel_loop3A_146 : i32 to index
        %parallel_loop3A_150 = tpu.vector_load %arg11[%parallel_loop3A_148, %parallel_loop3A_149] {strides = array<i32>} : memref<4x4096xf32, #tpu.memory_space<vmem>>, vector<1x16xf32>,
        %parallel_loop3A_151 = vector.shape_cast %parallel_loop3A_150 : vector<1x16xf32> to vector<16xf32>
        %parallel_loop3A_152 = vector.shape_cast %parallel_loop3A_144 : vector<16xf32> to vector<1x16xf32>
        tpu.vector_store %arg11[%parallel_loop3A_148, %parallel_loop3A_149], %parallel_loop3A_152 {strides = array<i32>} : memref<4x4096xf32, #tpu.memory_space<vmem>>, vector<1x16xf32>,
      } {sc.loop_unroll_factor = 8 : i64, sc.parallel_access}
      %parallel_loop3A_101 = arith.constant 0 : i32
      %parallel_loop3A_102 = arith.constant 256 : i32
      %parallel_loop3A_103 = arith.constant 1 : i32
      scf.for %parallel_loop3A_121 = %parallel_loop3A_101 to %parallel_loop3A_102 step %parallel_loop3A_103  : i32 {
        %parallel_loop3A_122 = arith.constant 16 : i32
        %parallel_loop3A_123 = arith.muli %parallel_loop3A_121, %parallel_loop3A_122 : i32
        %parallel_loop3A_124 = arith.constant 2 : i32
        %parallel_loop3A_125 = arith.index_cast %parallel_loop3A_124 : i32 to index
        %parallel_loop3A_126 = arith.index_cast %parallel_loop3A_123 : i32 to index
        %parallel_loop3A_127 = tpu.vector_load %arg9[%parallel_loop3A_125, %parallel_loop3A_126] {strides = array<i32>} : memref<4x4096xf32, #tpu.memory_space<vmem>>, vector<1x16xf32>,
        %parallel_loop3A_128 = vector.shape_cast %parallel_loop3A_127 : vector<1x16xf32> to vector<16xf32>
        %parallel_loop3A_129 = arith.mulf %parallel_loop3A_128, %div3A_7 : vector<16xf32>
        %parallel_loop3A_130 = arith.addf %parallel_loop3A_129, %get3A_5 : vector<16xf32>
        %parallel_loop3A_131 = arith.addf %parallel_loop3A_130, %broadcast_in_dim3A_8 : vector<16xf32>
        %parallel_loop3A_132 = arith.subf %parallel_loop3A_131, %broadcast_in_dim3A_8 : vector<16xf32>
        %parallel_loop3A_133 = arith.constant 2.000000e+00 : f32
        %parallel_loop3A_134 = vector.broadcast %parallel_loop3A_133 : f32 to vector<16xf32>
        %parallel_loop3A_135 = arith.maximumf %parallel_loop3A_132, %parallel_loop3A_134 : vector<16xf32>
        %parallel_loop3A_136 = arith.constant 6.000000e+00 : f32
        %parallel_loop3A_137 = vector.broadcast %parallel_loop3A_136 : f32 to vector<16xf32>
        %parallel_loop3A_138 = arith.minimumf %parallel_loop3A_135, %parallel_loop3A_137 : vector<16xf32>
        %parallel_loop3A_139 = arith.mulf %parallel_loop3A_138, %get3A_2 : vector<16xf32>
        %parallel_loop3A_140 = arith.addf %parallel_loop3A_139, %mul3A_11 : vector<16xf32>
        %parallel_loop3A_141 = arith.cmpf ole, %parallel_loop3A_128, %mul3A_14 : vector<16xf32>
        %parallel_loop3A_142 = arith.select %parallel_loop3A_141, %mul3A_11, %parallel_loop3A_140 : vector<16xi1>, vector<16xf32>
        %parallel_loop3A_143 = arith.cmpf ogt, %parallel_loop3A_128, %mul3A_18 : vector<16xf32>
        %parallel_loop3A_144 = arith.select %parallel_loop3A_143, %mul3A_22, %parallel_loop3A_142 : vector<16xi1>, vector<16xf32>
        %parallel_loop3A_145 = arith.constant 16 : i32
        %parallel_loop3A_146 = arith.muli %parallel_loop3A_121, %parallel_loop3A_145 : i32
        %parallel_loop3A_147 = arith.constant 2 : i32
        %parallel_loop3A_148 = arith.index_cast %parallel_loop3A_147 : i32 to index
        %parallel_loop3A_149 = arith.index_cast %parallel_loop3A_146 : i32 to index
        %parallel_loop3A_150 = tpu.vector_load %arg11[%parallel_loop3A_148, %parallel_loop3A_149] {strides = array<i32>} : memref<4x4096xf32, #tpu.memory_space<vmem>>, vector<1x16xf32>,
        %parallel_loop3A_151 = vector.shape_cast %parallel_loop3A_150 : vector<1x16xf32> to vector<16xf32>
        %parallel_loop3A_152 = vector.shape_cast %parallel_loop3A_144 : vector<16xf32> to vector<1x16xf32>
        tpu.vector_store %arg11[%parallel_loop3A_148, %parallel_loop3A_149], %parallel_loop3A_152 {strides = array<i32>} : memref<4x4096xf32, #tpu.memory_space<vmem>>, vector<1x16xf32>,
      } {sc.loop_unroll_factor = 8 : i64, sc.parallel_access}
      %parallel_loop3A_104 = arith.constant 0 : i32
      %parallel_loop3A_105 = arith.constant 256 : i32
      %parallel_loop3A_106 = arith.constant 1 : i32
      scf.for %parallel_loop3A_121 = %parallel_loop3A_104 to %parallel_loop3A_105 step %parallel_loop3A_106  : i32 {
        %parallel_loop3A_122 = arith.constant 16 : i32
        %parallel_loop3A_123 = arith.muli %parallel_loop3A_121, %parallel_loop3A_122 : i32
        %parallel_loop3A_124 = arith.constant 3 : i32
        %parallel_loop3A_125 = arith.index_cast %parallel_loop3A_124 : i32 to index
        %parallel_loop3A_126 = arith.index_cast %parallel_loop3A_123 : i32 to index
        %parallel_loop3A_127 = tpu.vector_load %arg9[%parallel_loop3A_125, %parallel_loop3A_126] {strides = array<i32>} : memref<4x4096xf32, #tpu.memory_space<vmem>>, vector<1x16xf32>,
        %parallel_loop3A_128 = vector.shape_cast %parallel_loop3A_127 : vector<1x16xf32> to vector<16xf32>
        %parallel_loop3A_129 = arith.mulf %parallel_loop3A_128, %div3A_7 : vector<16xf32>
        %parallel_loop3A_130 = arith.addf %parallel_loop3A_129, %get3A_5 : vector<16xf32>
        %parallel_loop3A_131 = arith.addf %parallel_loop3A_130, %broadcast_in_dim3A_8 : vector<16xf32>
        %parallel_loop3A_132 = arith.subf %parallel_loop3A_131, %broadcast_in_dim3A_8 : vector<16xf32>
        %parallel_loop3A_133 = arith.constant 2.000000e+00 : f32
        %parallel_loop3A_134 = vector.broadcast %parallel_loop3A_133 : f32 to vector<16xf32>
        %parallel_loop3A_135 = arith.maximumf %parallel_loop3A_132, %parallel_loop3A_134 : vector<16xf32>
        %parallel_loop3A_136 = arith.constant 6.000000e+00 : f32
        %parallel_loop3A_137 = vector.broadcast %parallel_loop3A_136 : f32 to vector<16xf32>
        %parallel_loop3A_138 = arith.minimumf %parallel_loop3A_135, %parallel_loop3A_137 : vector<16xf32>
        %parallel_loop3A_139 = arith.mulf %parallel_loop3A_138, %get3A_2 : vector<16xf32>
        %parallel_loop3A_140 = arith.addf %parallel_loop3A_139, %mul3A_11 : vector<16xf32>
        %parallel_loop3A_141 = arith.cmpf ole, %parallel_loop3A_128, %mul3A_14 : vector<16xf32>
        %parallel_loop3A_142 = arith.select %parallel_loop3A_141, %mul3A_11, %parallel_loop3A_140 : vector<16xi1>, vector<16xf32>
        %parallel_loop3A_143 = arith.cmpf ogt, %parallel_loop3A_128, %mul3A_18 : vector<16xf32>
        %parallel_loop3A_144 = arith.select %parallel_loop3A_143, %mul3A_22, %parallel_loop3A_142 : vector<16xi1>, vector<16xf32>
        %parallel_loop3A_145 = arith.constant 16 : i32
        %parallel_loop3A_146 = arith.muli %parallel_loop3A_121, %parallel_loop3A_145 : i32
        %parallel_loop3A_147 = arith.constant 3 : i32
        %parallel_loop3A_148 = arith.index_cast %parallel_loop3A_147 : i32 to index
        %parallel_loop3A_149 = arith.index_cast %parallel_loop3A_146 : i32 to index
        %parallel_loop3A_150 = tpu.vector_load %arg11[%parallel_loop3A_148, %parallel_loop3A_149] {strides = array<i32>} : memref<4x4096xf32, #tpu.memory_space<vmem>>, vector<1x16xf32>,
        %parallel_loop3A_151 = vector.shape_cast %parallel_loop3A_150 : vector<1x16xf32> to vector<16xf32>
        %parallel_loop3A_152 = vector.shape_cast %parallel_loop3A_144 : vector<16xf32> to vector<1x16xf32>
        tpu.vector_store %arg11[%parallel_loop3A_148, %parallel_loop3A_149], %parallel_loop3A_152 {strides = array<i32>} : memref<4x4096xf32, #tpu.memory_space<vmem>>, vector<1x16xf32>,
      } {sc.loop_unroll_factor = 8 : i64, sc.parallel_access}
      %mul3A_107 = arith.constant 4 : i32
      %mul3A_108 = arith.muli %add3A_85, %mul3A_107 : i32
      %add3A_109 = arith.addi %mul3A_24, %mul3A_108 : i32
      %dma_start3A_110 = arith.constant 0 : i32
      %dma_start3A_111 = tpu.memref_slice %arg5[%add3A_109, %dma_start3A_110] : memref<1024x4096xf32, #tpu.memory_space<hbm>> -> memref<4x4096xf32, #tpu.memory_space<hbm>>
      %dma_start3A_112 = arith.constant 0 : i32
      %dma_start3A_113 = tpu.memref_slice %arg5[%add3A_109, %dma_start3A_112] : memref<1024x4096xf32, #tpu.memory_space<hbm>> -> memref<4x4096xf32, #tpu.memory_space<hbm>>
      tpu.enqueue_dma source(%arg11 : memref<4x4096xf32, #tpu.memory_space<vmem>>) target(%dma_start3A_113 : memref<4x4096xf32, #tpu.memory_space<hbm>>) target_semaphore(%arg15 : memref<!tpu.dma_semaphore, #tpu.memory_space<semaphore_mem>>)
      %add3A_114 = arith.constant 2 : i32
      %add3A_115 = arith.addi %add3A_85, %add3A_114 : i32
      %lt3A_116 = arith.constant 8 : i32
      %lt3A_117 = arith.cmpi slt, %add3A_115, %lt3A_116 : i32
      %convert_element_type3A_118 = arith.extui %lt3A_117 : i1 to i32
      %cond3A_119 = arith.constant 0 : i32
      %cond3A_120 = arith.cmpi ne, %convert_element_type3A_118, %cond3A_119 : i32
      scf.if %cond3A_120 {
        %add3A_121 = arith.constant 2 : i32
        %add3A_122 = arith.addi %add3A_85, %add3A_121 : i32
        %mul3A_123 = arith.constant 4 : i32
        %mul3A_124 = arith.muli %add3A_122, %mul3A_123 : i32
        %add3A_125 = arith.addi %mul3A_24, %mul3A_124 : i32
        %dma_start3A_126 = arith.constant 0 : i32
        %dma_start3A_127 = tpu.memref_slice %arg2[%add3A_125, %dma_start3A_126] : memref<4096x4096xf32, #tpu.memory_space<hbm>> -> memref<4x4096xf32, #tpu.memory_space<hbm>>
        %dma_start3A_128 = arith.constant 0 : i32
        %dma_start3A_129 = tpu.memref_slice %arg2[%add3A_125, %dma_start3A_128] : memref<4096x4096xf32, #tpu.memory_space<hbm>> -> memref<4x4096xf32, #tpu.memory_space<hbm>>
        tpu.enqueue_dma source(%dma_start3A_129 : memref<4x4096xf32, #tpu.memory_space<hbm>>) target(%arg9 : memref<4x4096xf32, #tpu.memory_space<vmem>>) target_semaphore(%arg13 : memref<!tpu.dma_semaphore, #tpu.memory_space<semaphore_mem>>)
      } else {
      }
    }
    %scan3A_39 = arith.constant 4 : i32
    %dma_wait3A = arith.constant 0 : i32
    %dma_wait3A_40 = tpu.memref_slice %arg5[%mul3A_24, %dma_wait3A] : memref<1024x4096xf32, #tpu.memory_space<hbm>> -> memref<4x4096xf32, #tpu.memory_space<hbm>>
    %dma_wait3A_41 = arith.constant 0 : i32
    %dma_wait3A_42 = tpu.memref_slice %arg5[%mul3A_24, %dma_wait3A_41] : memref<1024x4096xf32, #tpu.memory_space<hbm>> -> memref<4x4096xf32, #tpu.memory_space<hbm>>
    tpu.wait_dma2 semaphore(%arg14 : memref<!tpu.dma_semaphore, #tpu.memory_space<semaphore_mem>>) src(%arg10 : memref<4x4096xf32, #tpu.memory_space<vmem>>) dst(%dma_wait3A_42 : memref<4x4096xf32, #tpu.memory_space<hbm>>)
    %dma_wait3A_43 = arith.constant 0 : i32
    %dma_wait3A_44 = tpu.memref_slice %arg5[%mul3A_24, %dma_wait3A_43] : memref<1024x4096xf32, #tpu.memory_space<hbm>> -> memref<4x4096xf32, #tpu.memory_space<hbm>>
    %dma_wait3A_45 = arith.constant 0 : i32
    %dma_wait3A_46 = tpu.memref_slice %arg5[%mul3A_24, %dma_wait3A_45] : memref<1024x4096xf32, #tpu.memory_space<hbm>> -> memref<4x4096xf32, #tpu.memory_space<hbm>>
    tpu.wait_dma2 semaphore(%arg15 : memref<!tpu.dma_semaphore, #tpu.memory_space<semaphore_mem>>) src(%arg11 : memref<4x4096xf32, #tpu.memory_space<vmem>>) dst(%dma_wait3A_46 : memref<4x4096xf32, #tpu.memory_space<hbm>>)
    return
  }
}

module attributes {stable_mosaic.version = 14 : i64} {
  func.func @_tc_body(%arg0: i32, %arg1: memref<1xf32, #tpu.memory_space<smem>>, %arg2: memref<1xf32, #tpu.memory_space<smem>>, %arg3: memref<256x4096xf32, #tpu.memory_space<vmem>>, %arg4: memref<256x4096xf32, #tpu.memory_space<vmem>>) attributes {dimension_semantics = [#tpu.dimension_semantics<arbitrary>], iteration_bounds = array<i64: 12>, scalar_prefetch = 0 : i64, scratch_operands = 0 : i64, tpu.core_type = #tpu.core_type<tc>, window_params = [{transform_indices = @transform_0, window_bounds = array<i64: 1>}, {transform_indices = @transform_1, window_bounds = array<i64: 1>}, {transform_indices = @transform_2, window_bounds = array<i64: 256, 4096>}, {transform_indices = @transform_3, window_bounds = array<i64: 256, 4096>}]} {
    %get3A = arith.constant 0 : index
    %get3A_0 = memref.load %arg1[%get3A] : memref<1xf32, #tpu.memory_space<smem>>
    %get3A_1 = arith.constant 0 : index
    %get3A_2 = memref.load %arg2[%get3A_1] : memref<1xf32, #tpu.memory_space<smem>>
    %sub3A = arith.constant 1.000000e+00 : f32
    %sub3A_3 = arith.subf %sub3A, %get3A_2 : f32
    %mul3A = arith.mulf %sub3A_3, %get3A_0 : f32
    %sub3A_4 = arith.constant 2.500000e+00 : f32
    %sub3A_5 = arith.subf %sub3A_4, %get3A_2 : f32
    %mul3A_6 = arith.mulf %sub3A_5, %get3A_0 : f32
    %sub3A_7 = arith.constant 3.500000e+00 : f32
    %sub3A_8 = arith.subf %sub3A_7, %get3A_2 : f32
    %mul3A_9 = arith.mulf %sub3A_8, %get3A_0 : f32
    %sub3A_10 = arith.constant 4.500000e+00 : f32
    %sub3A_11 = arith.subf %sub3A_10, %get3A_2 : f32
    %mul3A_12 = arith.mulf %sub3A_11, %get3A_0 : f32
    %sub3A_13 = arith.constant 5.500000e+00 : f32
    %sub3A_14 = arith.subf %sub3A_13, %get3A_2 : f32
    %mul3A_15 = arith.mulf %sub3A_14, %get3A_0 : f32
    %sub3A_16 = arith.constant 7.000000e+00 : f32
    %sub3A_17 = arith.subf %sub3A_16, %get3A_2 : f32
    %mul3A_18 = arith.mulf %sub3A_17, %get3A_0 : f32
    %sub3A_19 = arith.constant 0.000000e+00 : f32
    %sub3A_20 = arith.subf %sub3A_19, %get3A_2 : f32
    %mul3A_21 = arith.mulf %sub3A_20, %get3A_0 : f32
    %sub3A_22 = arith.constant 2.000000e+00 : f32
    %sub3A_23 = arith.subf %sub3A_22, %get3A_2 : f32
    %mul3A_24 = arith.mulf %sub3A_23, %get3A_0 : f32
    %sub3A_25 = arith.constant 3.000000e+00 : f32
    %sub3A_26 = arith.subf %sub3A_25, %get3A_2 : f32
    %mul3A_27 = arith.mulf %sub3A_26, %get3A_0 : f32
    %sub3A_28 = arith.constant 4.000000e+00 : f32
    %sub3A_29 = arith.subf %sub3A_28, %get3A_2 : f32
    %mul3A_30 = arith.mulf %sub3A_29, %get3A_0 : f32
    %sub3A_31 = arith.constant 5.000000e+00 : f32
    %sub3A_32 = arith.subf %sub3A_31, %get3A_2 : f32
    %mul3A_33 = arith.mulf %sub3A_32, %get3A_0 : f32
    %sub3A_34 = arith.constant 6.000000e+00 : f32
    %sub3A_35 = arith.subf %sub3A_34, %get3A_2 : f32
    %mul3A_36 = arith.mulf %sub3A_35, %get3A_0 : f32
    %sub3A_37 = arith.constant 8.000000e+00 : f32
    %sub3A_38 = arith.subf %sub3A_37, %get3A_2 : f32
    %mul3A_39 = arith.mulf %sub3A_38, %get3A_0 : f32
    %get3A_40 = arith.constant 0 : index
    %get3A_41 = arith.constant 0 : index
    %get3A_42 = vector.load %arg3[%get3A_40, %get3A_41] : memref<256x4096xf32, #tpu.memory_space<vmem>>, vector<256x4096xf32>
    %le3A = vector.broadcast %mul3A_18 : f32 to vector<256x4096xf32>
    %le3A_43 = arith.cmpf ole, %get3A_42, %le3A : vector<256x4096xf32>
    %broadcast_in_dim3A = vector.broadcast %mul3A_36 : f32 to vector<256x4096xf32>
    %broadcast_in_dim3A_44 = vector.broadcast %mul3A_39 : f32 to vector<256x4096xf32>
    %select_n3A = arith.select %le3A_43, %broadcast_in_dim3A, %broadcast_in_dim3A_44 : vector<256x4096xi1>, vector<256x4096xf32>
    %le3A_45 = vector.broadcast %mul3A_15 : f32 to vector<256x4096xf32>
    %le3A_46 = arith.cmpf ole, %get3A_42, %le3A_45 : vector<256x4096xf32>
    %broadcast_in_dim3A_47 = vector.broadcast %mul3A_33 : f32 to vector<256x4096xf32>
    %select_n3A_48 = arith.select %le3A_46, %broadcast_in_dim3A_47, %select_n3A : vector<256x4096xi1>, vector<256x4096xf32>
    %le3A_49 = vector.broadcast %mul3A_12 : f32 to vector<256x4096xf32>
    %le3A_50 = arith.cmpf ole, %get3A_42, %le3A_49 : vector<256x4096xf32>
    %broadcast_in_dim3A_51 = vector.broadcast %mul3A_30 : f32 to vector<256x4096xf32>
    %select_n3A_52 = arith.select %le3A_50, %broadcast_in_dim3A_51, %select_n3A_48 : vector<256x4096xi1>, vector<256x4096xf32>
    %le3A_53 = vector.broadcast %mul3A_9 : f32 to vector<256x4096xf32>
    %le3A_54 = arith.cmpf ole, %get3A_42, %le3A_53 : vector<256x4096xf32>
    %broadcast_in_dim3A_55 = vector.broadcast %mul3A_27 : f32 to vector<256x4096xf32>
    %select_n3A_56 = arith.select %le3A_54, %broadcast_in_dim3A_55, %select_n3A_52 : vector<256x4096xi1>, vector<256x4096xf32>
    %le3A_57 = vector.broadcast %mul3A_6 : f32 to vector<256x4096xf32>
    %le3A_58 = arith.cmpf ole, %get3A_42, %le3A_57 : vector<256x4096xf32>
    %broadcast_in_dim3A_59 = vector.broadcast %mul3A_24 : f32 to vector<256x4096xf32>
    %select_n3A_60 = arith.select %le3A_58, %broadcast_in_dim3A_59, %select_n3A_56 : vector<256x4096xi1>, vector<256x4096xf32>
    %le3A_61 = vector.broadcast %mul3A : f32 to vector<256x4096xf32>
    %le3A_62 = arith.cmpf ole, %get3A_42, %le3A_61 : vector<256x4096xf32>
    %broadcast_in_dim3A_63 = vector.broadcast %mul3A_21 : f32 to vector<256x4096xf32>
    %select_n3A_64 = arith.select %le3A_62, %broadcast_in_dim3A_63, %select_n3A_60 : vector<256x4096xi1>, vector<256x4096xf32>
    %swap3A = arith.constant 0 : index
    %swap3A_65 = arith.constant 0 : index
    %swap3A_66 = vector.load %arg4[%swap3A, %swap3A_65] : memref<256x4096xf32, #tpu.memory_space<vmem>>, vector<256x4096xf32>
    tpu.vector_store %arg4[%swap3A, %swap3A_65], %select_n3A_64 {strides = array<i32>} : memref<256x4096xf32, #tpu.memory_space<vmem>>, vector<256x4096xf32>,
    return
  }
  func.func @transform_0(%arg0: i32) -> i32 {
    %c0_i32 = arith.constant 0 : i32
    %c0_i32_0 = arith.constant 0 : i32
    return %c0_i32 : i32
  }
  func.func @transform_1(%arg0: i32) -> i32 {
    %c0_i32 = arith.constant 0 : i32
    %c0_i32_0 = arith.constant 0 : i32
    return %c0_i32 : i32
  }
  func.func @transform_2(%arg0: i32) -> (i32, i32) {
    %add3A = arith.constant 4 : i32
    %add3A_0 = arith.addi %arg0, %add3A : i32
    %c0_i32 = arith.constant 0 : i32
    %c0_i32_1 = arith.constant 0 : i32
    return %add3A_0, %c0_i32 : i32, i32
  }
  func.func @transform_3(%arg0: i32) -> (i32, i32) {
    %add3A = arith.constant 4 : i32
    %add3A_0 = arith.addi %arg0, %add3A : i32
    %c0_i32 = arith.constant 0 : i32
    %c0_i32_1 = arith.constant 0 : i32
    return %add3A_0, %c0_i32 : i32, i32
  }
}

</mosaic_0001>

<sc_bundles>
// kernel: kernel.4.cloned.1.call-start
scs
__scs_entry_jumppad:
0x0: {  	(pc) =	sbr.rel $0x88, $3  }
0x1: {  	(tag) =	ssettag $0x0;
	lr =	simm.s32 $0x1  }
0x2: {  	[smem:$0x3F9E] =	sst lr;
	_ =	strace $0xD0000000  }
0x3: {  	_ = 	snop  }
0x4: {  	_ = 	snop  }
0x5: {  	_ = 	snop  }
0x6: {  	_ = 	snop  }
0x7: {  	_ = 	snop  }
__scs_overlays_trampoline_lowered:
0x8: {  	[smem:$0x3FAD] =	sst s0  }
0x9: {  	[smem:$0x3FAE] =	sst s1  }
0xa: {  	[smem:$0x3FAF] =	sst s2  }
0xb: {  	[smem:$0x3FB0] =	sst s3  }
0xc: {  	[smem:$0x3FB1] =	sst s4  }
0xd: {  	[smem:$0x3FB2] =	sst s5  }
0xe: {  	[smem:$0x3FB3] =	sst s6  }
0xf: {  	[smem:$0x3FB4] =	sst s7  }
0x10: {  	[smem:$0x3FB5] =	sst s8  }
0x11: {  	[smem:$0x3FB6] =	sst s9;
	s0 =	simm.s32 @!p0 $0x0  }
0x12: {  	s1 =	sld [smem:$0x3F9C];
	s0 =	simm.s32 @p0 $0x1  }
0x13: {  	[smem:$0x3FB7] =	sst s0;
	s0 =	simm.s32 @!p1 $0x0  }
0x14: {  	s2 =	sld [smem:$0x3F9B];
	s0 =	simm.s32 @p1 $0x1  }
0x15: {  	[smem:$0x3FB8] =	sst s0;
	s0 =	simm.s32 @!p2 $0x0  }
0x16: {  	s3 =	sld [smem:$0x3FDB];
	s0 =	simm.s32 @p2 $0x1  }
0x17: {  	s4 =	simm.s32 $0x1BF5;
	[smem:$0x3FBA] =	sst s0  }
0x18: {  	s0 =	sld [smem:$0x3F9D];
	_ =	swait.ge [sflag:s4], $0x0  }
0x19: {  	s7 =	sld [smem:$0x3F9E]  }
0x1a: {  	s8 =	sadd.s32 $0xFFFFE003, lr  }
0x1b: {  	s9 =	sadd.s32 $0xFFFFFEF7, lr;
	s5 =	simm.s32 $0xFFFFFFFF;
	p2 =	slt.u32 s8, $0xFFFFF086  }
0x1c: {  	p1 =	slt.u32 s9, $0xF7A;
	s5 =	simm.s32 @!p2 $0x0  }
0x1d: {  	s5 =	simm.s32 @p1 $0x1;
	p0 =	seq.s32 s7, s2  }
0x1e: {  	s7 =	smul.u32 @!p0 $0xF7A, s2;
	p2 =	seq.s32 @!p0 s5, $0x0  }
0x1f: {  	s9 =	smul.u32 $0xF7A, s1;
	s8 =	simm.s32 @!p0 $0x1BF5;
	p2 =	por !p2, p0  }
0x20: {  	[sflag:s8] =	ssyncset.s32 @!p0 $0xFFFFF086;
	s6 =	sadd.s32 @!p0 s3, s7;
	s7 =	simm.s32 @!p0 $0x108  }
0x21: {  	s3 =	sadd.s32 s3, s9;
	s6 =	sadd.s32 @!p0 $0x88, s6;
	s7 =	simm.s32 @p2 $0x1082  }
0x22: {  	[simem:s7], [sflag:s8] =	dma.local @!p0 [hbm:s6], $0xF7A  }
0x23: {  	s9 =	sor.u32 $0xD0000000, s2;
	s6 =	simm.s32 $0x108;
	_ =	swait.ge @!p0 [sflag:s8], $0x0  }
0x24: {  	s3 =	sadd.s32 $0x88, s3;
	s6 =	simm.s32 @!p1 $0x1082;
	[sflag:s4] =	ssyncset.s32 $0xFFFFF086  }
0x25: {  	[simem:s6], [sflag:s4] =	dma.local [hbm:s3], $0xF7A  }
0x26: {  	[smem:$0x3F9E] =	sst s1;
	(tag) =	ssettag s2;
	_ =	strace s9  }
0x27: {  	s1 =	sld [smem:$0x3FAE]  }
0x28: {  	s2 =	sld [smem:$0x3FAF]  }
0x29: {  	s4 =	sld [smem:$0x3FB1]  }
0x2a: {  	p0 =	seq.s32 s5, $0x0;
	s5 =	sld [smem:$0x3FB2]  }
0x2b: {  	s6 =	sld [smem:$0x3FB3]  }
0x2c: {  	s7 =	sld [smem:$0x3FB4]  }
0x2d: {  	s3 =	simm.s32 $0x108;
	s8 =	sld [smem:$0x3FB5]  }
0x2e: {  	s3 =	simm.s32 @!p0 $0x1082;
	s9 =	sld [smem:$0x3FB6]  }
0x2f: {  	lr =	sadd.s32 s0, s3;
	s0 =	sld [smem:$0x3FAD]  }
0x30: {  	s3 =	sld [smem:$0x3FB0]  }
0x31: {  	[smem:$0x3FB9] =	sst s10  }
0x32: {  	s10 =	sld [smem:$0x3FB7];
	_ =	sdelay $0x3  }
0x33: {  	p0 =	seq.s32 s10, $0x1;
	s10 =	sld [smem:$0x3FB9];
	_ =	sdelay $0x3  }
0x34: {  	[smem:$0x3FB9] =	sst s10  }
0x35: {  	s10 =	sld [smem:$0x3FB8];
	_ =	sdelay $0x3  }
0x36: {  	p1 =	seq.s32 s10, $0x1;
	s10 =	sld [smem:$0x3FB9];
	_ =	sdelay $0x3  }
0x37: {  	[smem:$0x3FB9] =	sst s10  }
0x38: {  	s10 =	sld [smem:$0x3FBA]  }
0x39: {  	_ = 	snop;
	(pc) =	sbr.ind lr, $3  }
0x3a: {  	_ = 	snop  }
0x3b: {  	_ = 	snop  }
0x3c: {  	p2 =	seq.s32 s10, $0x1;
	s10 =	sld [smem:$0x3FB9]  }
0x3d: {  	_ =	shalt  }
0x3e: {  	_ =	shalt  }
0x3f: {  	_ =	shalt  }
0x40: {  	_ =	shalt  }
0x41: {  	_ =	shalt  }
0x42: {  	_ =	shalt  }
0x43: {  	_ =	shalt  }
0x44: {  	_ =	shalt  }
0x45: {  	_ =	shalt  }
0x46: {  	_ =	shalt  }
0x47: {  	_ =	shalt  }
0x48: {  	_ =	shalt  }
0x49: {  	_ =	shalt  }
0x4a: {  	_ =	shalt  }
0x4b: {  	_ =	shalt  }
0x4c: {  	_ =	shalt  }
0x4d: {  	_ =	shalt  }
0x4e: {  	_ =	shalt  }
0x4f: {  	_ =	shalt  }
0x50: {  	_ =	shalt  }
0x51: {  	_ =	shalt  }
0x52: {  	_ =	shalt  }
0x53: {  	_ =	shalt  }
0x54: {  	_ =	shalt  }
0x55: {  	_ =	shalt  }
0x56: {  	_ =	shalt  }
0x57: {  	_ =	shalt  }
0x58: {  	_ =	shalt  }
0x59: {  	_ =	shalt  }
0x5a: {  	_ =	shalt  }
0x5b: {  	_ =	shalt  }
0x5c: {  	_ =	shalt  }
0x5d: {  	_ =	shalt  }
0x5e: {  	_ =	shalt  }
0x5f: {  	_ =	shalt  }
0x60: {  	_ =	shalt  }
0x61: {  	_ =	shalt  }
0x62: {  	_ =	shalt  }
0x63: {  	_ =	shalt  }
0x64: {  	_ =	shalt  }
0x65: {  	_ =	shalt  }
0x66: {  	_ =	shalt  }
0x67: {  	_ =	shalt  }
0x68: {  	_ =	shalt  }
0x69: {  	_ =	shalt  }
0x6a: {  	_ =	shalt  }
0x6b: {  	_ =	shalt  }
0x6c: {  	_ =	shalt  }
0x6d: {  	_ =	shalt  }
0x6e: {  	_ =	shalt  }
0x6f: {  	_ =	shalt  }
0x70: {  	_ =	shalt  }
0x71: {  	_ =	shalt  }
0x72: {  	_ =	shalt  }
0x73: {  	_ =	shalt  }
0x74: {  	_ =	shalt  }
0x75: {  	_ =	shalt  }
0x76: {  	_ =	shalt  }
0x77: {  	_ =	shalt  }
0x78: {  	_ =	shalt  }
0x79: {  	_ =	shalt  }
0x7a: {  	_ =	shalt  }
0x7b: {  	_ =	shalt  }
0x7c: {  	_ =	shalt  }
0x7d: {  	_ =	shalt  }
0x7e: {  	_ =	shalt  }
0x7f: {  	_ =	shalt  }
0x80: {  	_ =	shalt  }
0x81: {  	_ =	shalt  }
0x82: {  	_ =	shalt  }
0x83: {  	_ =	shalt  }
0x84: {  	_ =	shalt  }
0x85: {  	_ =	shalt  }
0x86: {  	_ =	shalt  }
0x87: {  	_ =	shalt  }
.Lfunc_end0:
.L_simem_size_0:
called_computation_lowered:
.L_overlay_start_0:
0x88: {  	s2 =	sld [smem:$0x3FD9]  }
0x89: {  	s3 =	sld [smem:$0x3FFE];
	_ =	sdelay $0x1  }
0x8a: {  	s1 =	srdreg.scid  }
0x8b: {  	s0 =	sand.u32 $0x1, s1  }
0x8c: {  	s17 =	sshll.u32 s0, $0xA;
	s2 =	sadd.s32 s3, s2  }
0x8d: {  	s2 =	sadd.s32 s2, s17  }
0x8e: {  	[smem:$0x3FC5] =	sst s2  }
0x8f: {  	_ = 	snop  }
0x90: {  	s2 =	sld [smem:$0x3FC9];
	(tm) =	ssettm $0x1  }
0x91: {  	s18 =	sld [smem:$0x3FFB];
	_ =	sdelay $0x3  }
0x92: {  	_ =	strace s18  }
0x93: {  	s3 =	sld [smem:$0x3FFC];
	_ =	sdelay $0x3  }
0x94: {  	_ =	strace s3  }
0x95: {  	s3 =	sld [smem:$0x3FFD];
	_ =	sdelay $0x3  }
0x96: {  	_ =	strace s3  }
0x97: {  	_ =	strace $0x8FFFFFFF  }
0x98: {  	s19 =	sld [smem:$0x3FDB];
	_ =	sdelay $0x1  }
0x99: {  	s4 =	simm.s32 $_scs_section_size  }
0x9a: {  	s5 =	simm.s32 $_size__tile_overlayer_lowered;
	s6 =	simm.s32 $_tile_overlayer_lowered  }
0x9b: {  	s22 =	simm.s32 $0x1BFF;
	s21 =	sshll.u32 s6, $0x1;
	s3 =	sadd.s32 s4, s19  }
0x9c: {  	s7 =	simm.s32 $0x0;
	s20 =	sshll.u32 s5, $0x1;
	s5 =	sadd.s32 s21, s3  }
0x9d: {  	[timem:s7], [sflag:s22] =	dma.local [hbm:s5], s20  }
0x9e: {  	_ =	swait.ge [sflag:s22], s20  }
0x9f: {  	s4 =	ssub.s32 $0x0, s20;
	[sflag:s22] =	ssyncset.done $0x0  }
0xa0: {  	[sflag:s22] =	ssyncadd.s32 s4;
	_ =	sdelay $0x1  }
0xa1: {  	s23 =	simm.s32 $0x1B8B  }
0xa2: {  	_ =	swait.ge [sflag:s23], $0x1  }
0xa3: {  	[sflag:s23] =	ssyncset.done $0x0  }
0xa4: {  	s25 =	simm.s32 $0x1B8E;
	s24 =	sld [smem:$0x3FFE];
	[sflag:s23] =	ssyncadd.s32 $0xFFFFFFFF  }
0xa5: {  	s26 =	simm.s32 $execute0_lowered;
	[smem:$0x3FD2] =	sst s25  }
0xa6: {  	s5 =	sshll.u32 s26, $0x1;
	_ =	strace $0x80000046;
	[dreg:$0x1] =	wrdreg $0xFFFFFFFF  }
0xa7: {  	s28 =	simm.s32 $_size_execute0_lowered;
	s3 =	sadd.s32 s3, s5;
	[dreg:$0x0] =	wrdreg $0x0  }
0xa8: {  	s5 =	sshll.u32 s28, $0x1;
	[dreg:$0x2] =	wrdreg s3  }
0xa9: {  	[dreg:$0x3] =	wrdreg s5  }
0xaa: {  	[dreg:$0x4] =	wrdreg $0xC0  }
0xab: {  	_ =	task [dreg:s7], $0x5FFFF  }
0xac: {  	[dreg:$0x1] =	wrdreg $0xFFFFFFFF  }
0xad: {  	[dreg:$0x0] =	wrdreg $0x60  }
0xae: {  	[dreg:$0x2] =	wrdreg s2  }
0xaf: {  	[dreg:$0x3] =	wrdreg s24  }
0xb0: {  	[dreg:$0x4] =	wrdreg $0x9  }
0xb1: {  	_ =	task.clear_ibuf [dreg:s7], $0x5FFFF;
	_ =	strace $0x90000046  }
0xb2: {  	s29 =	simm.s32 $0x9;
	_ =	strace $0x80000048  }
0xb3: {  	_ =	swait.ge [sflag:s29], $0x1  }
0xb4: {  	[sflag:s29] =	ssyncadd.s32 $0xFFFFFFFF  }
0xb5: {  	_ =	strace $0x90000048  }
0xb6: {  	_ =	sfence  }
0xb7: {  	s30 =	sld [smem:$0x0];
	_ =	sdelay $0x2  }
0xb8: {  	s31 =	sshll.u32 s1, $0xD;
	s1 =	sshrl.u32 s1, $0x2  }
0xb9: {  	s3 =	sand.u32 $0x4000, s31;
	s1 =	sadd.s32 s1, s30  }
0xba: {  	s0 =	sor.u32 s3, s0;
	s1 =	sshll.u32 s1, $0x11  }
0xbb: {  	s0 =	sor.u32 s1, s0  }
0xbc: {  	s0 =	sadd.s32 $0x8F2B, s0  }
0xbd: {  	[sflag:s0] =	ssyncadd.remote.s32 $0x1  }
0xbe: {  	_ =	sfence.sel $0xFFFF  }
0xbf: {  	[dreg:$0x0] =	wrdreg $0xFFFFFFFF;
	(pc) =	sbr.abs _section_cstart, $3  }
0xc0: {  	[dreg:$0x1] =	wrdreg $0xFFFFFFFF  }
0xc1: {  	_ =	task.clear_ibuf [dreg:s7], $0x2FFFF;
	_ =	strace $0x9FFFFFFF  }
0xc2: {  	(tm) =	ssettm $0x7FFFFFFF  }
0xc3: {  	_ =	shalt  }
tec
execute0_lowered:
.L_overlay_start_1:
0x0: {  	(tag) =	ssettag $0x1  }
0x1: {  	s0 =	rddreg [dreg:$0x0]  }
0x2: {  	s1 =	rddreg [dreg:$0x1]  }
0x3: {  	s3 =	srdreg.scid;
	s2 =	simm.s32 $0x0;
	s5 =	stileid.u32  }
0x4: {  	s14 =	simm.s32 $0x5;
	s16 =	simm.s32 $0x200;
	s17 =	simm.s32 $0x400  }
0x5: {  	s18 =	simm.s32 $0x100;
	s19 =	simm.s32 $0x4100;
	s20 =	simm.s32 $0x1  }
0x6: {  	s21 =	simm.s32 $0x8100;
	s22 =	simm.s32 $0x2;
	s23 =	simm.s32 $0x4  }
0x7: {  	s24 =	simm.s32 $0xC100;
	s25 =	simm.s32 $0x3;
	s26 =	simm.s32 $0x0  }
0x8: {  	s4 =	sand.u32 $0x1, s3;
	[smem:$0x7FF] =	sst s2;
	s29 =	sshll.u32 s5, $0x6  }
0x9: {  	s3 =	sadd.s32 $0x800, s1;
	s5 =	sadd.s32 $0xA00, s1;
	s7 =	sadd.s32 $0xC00, s1  }
.Ltmp0:
0xa: {  	s30 =	sshll.u32 s4, $0x5;
	s8 =	ssub.s32 $0x2, s4;
	(pc) =	sbr.rel .LBB2_1-.Ltmp0, $4  }
0xb: {  	s11 =	sadd.s32 $0xC40, s1;
	s9 =	sor.u32 s30, s29;
	s10 =	sshrl.u32 s8, $0x1  }
0xc: {  	_ =	strace $0x80000047;
	s4 =	sshll.u32 s9, $0x9;
	s31 =	ssub.s32 s8, s10  }
0xd: {  	s9 =	sshrl.u32 s9, $0x3;
	s6 =	sadd.s32 s0, s4;
	s13 =	smax.u32 s31, $0x1  }
0xe: {  	s8 =	sadd.s32 $0x40, s6;
	s10 =	sadd.s32 $0x1000, s6;
	s12 =	sadd.s32 $0x1040, s6  }
.LBB2_24:
0xf: {  	s26 =	sadd.s32 $0x1, s26  }
0x10: {  	_ =	swait.ge [sflag:s25], $0x4000;
	p0 =	sne.s32 s26, s13  }
.Ltmp1:
0x11: {  	[sflag:s25] =	ssyncset.done $0x0;
	(pc) =	sbr.rel @!p0 .LBB2_25-.Ltmp1, $4  }
0x12: {  	[sflag:s25] =	ssyncadd.s32 $0xFFFFC000  }
0x13: {  	_ =	swait.ge [sflag:s23], $0x4000  }
0x14: {  	[sflag:s23] =	ssyncset.done $0x0  }
0x15: {  	[sflag:s23] =	ssyncadd.s32 $0xFFFFC000  }
.LBB2_1:
0x16: {  	[tilespmem:s2], [sflag:$0x5] =	stream.linear.gather [hbm4b:s3+s2], $0x80, $0x38;
	[tilespmem:$0x10100] =	vst v63  }
0x17: {  	_ =	swait.ge [sflag:s14], $0x80  }
0x18: {  	[sflag:s14] =	ssyncset.done $0x0  }
0x19: {  	s0 =	simm.s32 $0x80;
	[sflag:s14] =	ssyncadd.s32 $0xFFFFFF80  }
0x1a: {  	[tilespmem:s0], [sflag:$0x5] =	stream.linear.gather [hbm4b:s5+s2], $0x80, $0x38;
	[tilespmem:$0x10100] =	vst v63  }
0x1b: {  	_ =	swait.ge [sflag:s14], $0x80  }
0x1c: {  	[sflag:s14] =	ssyncset.done $0x0  }
0x1d: {  	[sflag:s14] =	ssyncadd.s32 $0xFFFFFF80  }
0x1e: {  	v0 =	vld [tilespmem:$0x0];
	_ =	sdelay $0x4  }
0x1f: {  	(erf) = vrcp.f32 v0  }
0x20: {  	v1 =	vld [tilespmem:$0x80];
	_ =	sdelay $0x4  }
0x21: {  	v2 =	vsub.f32 $0.0e+00, v1;
	v3 =	vsub.f32 $1.000000000e+00, v1  }
0x22: {  	[tilespmem:s18], [sflag:$0x1] =	stream.strided.gather [hbm4b:s6+s16], $0x4000, s17, s16, $0x38;
	v5 =	vsub.f32 $7.000000000e+00, v1;
	v6 =	vsub.f32 $8.000000000e+00, v1;
	[tilespmem:$0x10100] =	vst v63  }
0x23: {  	s28 =	simm.s32 $0x0;
	v2 =	vmul.f32 v2, v0;
	v3 =	vmul.f32 v3, v0  }
0x24: {  	[tilespmem:s19], [sflag:$0x2] =	stream.strided.gather [hbm4b:s8+s16], $0x4000, s17, s16, $0x38;
	v5 =	vmul.f32 v5, v0;
	v6 =	vmul.f32 v6, v0;
	v4 =	vpop (erf);
	[tilespmem:$0x10100] =	vst v63  }
.LBB2_2:
0x25: {  	_ =	swait.ge [sflag:s20], $0x4000  }
0x26: {  	p0 =	seq.s32 s28, $0x0;
	[sflag:s20] =	ssyncset.done $0x0  }
0x27: {  	s0 =	simm.s32 @!p0 $0x3;
	[sflag:s20] =	ssyncadd.s32 $0xFFFFC000  }
0x28: {  	_ =	swait.ge @!p0 [sflag:s0], $0x4000  }
0x29: {  	[sflag:s0] =	ssyncset.done @!p0 $0x0  }
0x2a: {  	s15 =	simm.s32 $0x140;
	[sflag:s0] =	ssyncadd.s32 @!p0 $0xFFFFC000  }
0x2b: {  	v13 =	vld [tilespmem:s15+$0x30]  }
0x2c: {  	v11 =	vld [tilespmem:s15+$0xFFFFFFD0]  }
0x2d: {  	v9 =	vld [tilespmem:s15+$0xFFFFFFE0]  }
0x2e: {  	v7 =	vld [tilespmem:s15+$0xFFFFFFF0]  }
0x2f: {  	v8 =	vld [tilespmem:s15+$0x0]  }
0x30: {  	v10 =	vld [tilespmem:s15+$0x10]  }
0x31: {  	v12 =	vld [tilespmem:s15+$0xFFFFFFC0];
	_ =	sdelay $0x1  }
0x32: {  	v14 =	vmul.f32 v13, v4;
	v15 =	vmul.f32 v11, v4  }
0x33: {  	v16 =	vmul.f32 v9, v4;
	v17 =	vmul.f32 v7, v4  }
0x34: {  	v18 =	vmul.f32 v8, v4;
	v19 =	vmul.f32 v10, v4;
	v14 =	vadd.f32 v14, v1  }
0x35: {  	v21 =	vmul.f32 v12, v4;
	v15 =	vadd.f32 v15, v1;
	v16 =	vadd.f32 v16, v1  }
0x36: {  	vm3 =	vle.f32 v11, v3;
	v17 =	vadd.f32 v17, v1;
	v18 =	vadd.f32 v18, v1  }
0x37: {  	vm0 =	vgt.f32 v11, v5;
	v11 =	vld [tilespmem:s15+$0x20];
	v19 =	vadd.f32 v19, v1;
	v21 =	vadd.f32 v21, v1  }
0x38: {  	vm4 =	vle.f32 v9, v3;
	v14 =	vadd.f32 $8.388608000e+06, v14;
	v15 =	vadd.f32 $8.388608000e+06, v15  }
0x39: {  	vm1 =	vle.f32 v7, v3;
	v16 =	vadd.f32 $8.388608000e+06, v16;
	v17 =	vadd.f32 $8.388608000e+06, v17  }
0x3a: {  	vm6 =	vle.f32 v12, v3;
	v18 =	vadd.f32 $8.388608000e+06, v18;
	v19 =	vadd.f32 $8.388608000e+06, v19  }
0x3b: {  	vm2 =	vle.f32 v8, v3;
	v21 =	vadd.f32 $8.388608000e+06, v21;
	v14 =	vadd.f32 $-8.388608000e+06, v14  }
0x3c: {  	v20 =	vmul.f32 v11, v4;
	v15 =	vadd.f32 $-8.388608000e+06, v15;
	v16 =	vadd.f32 $-8.388608000e+06, v16  }
0x3d: {  	vm5 =	vle.f32 v13, v3;
	v21 =	vadd.f32 $-8.388608000e+06, v21;
	v17 =	vadd.f32 $-8.388608000e+06, v17  }
0x3e: {  	vm7 =	vle.f32 v11, v3;
	v18 =	vadd.f32 $-8.388608000e+06, v18;
	v20 =	vadd.f32 v20, v1  }
0x3f: {  	v14 =	vmax.f32 v14, $2.000000000e+00;
	v15 =	vmax.f32 v15, $2.000000000e+00;
	v16 =	vmax.f32 v16, $2.000000000e+00  }
0x40: {  	v17 =	vmax.f32 v17, $2.000000000e+00;
	v18 =	vmax.f32 v18, $2.000000000e+00;
	v14 =	vmin.f32 v14, $6.000000000e+00  }
0x41: {  	v20 =	vadd.f32 $8.388608000e+06, v20;
	v15 =	vmin.f32 v15, $6.000000000e+00;
	v14 =	vmul.f32 v14, v0  }
0x42: {  	v16 =	vmin.f32 v16, $6.000000000e+00;
	v17 =	vmin.f32 v17, $6.000000000e+00;
	v15 =	vmul.f32 v15, v0  }
0x43: {  	v18 =	vmin.f32 v18, $6.000000000e+00;
	v16 =	vmul.f32 v16, v0;
	v14 =	vadd.f32 v14, v2  }
0x44: {  	v17 =	vmul.f32 v17, v0;
	v18 =	vmul.f32 v18, v0;
	v63 =	vadd.f32 v15, v2  }
0x45: {  	v14 =	vsel vm5, v2, v14;
	vm5 =	vgt.f32 v13, v5;
	v13 =	vadd.f32 $-8.388608000e+06, v19  }
0x46: {  	v24 =	vadd.f32 v16, v2;
	v19 =	vadd.f32 $-8.388608000e+06, v20;
	v20 =	vmax.f32 v21, $2.000000000e+00  }
0x47: {  	v15 =	vadd.f32 v17, v2;
	v20 =	vmin.f32 v20, $6.000000000e+00;
	v13 =	vmax.f32 v13, $2.000000000e+00  }
0x48: {  	v19 =	vmax.f32 v19, $2.000000000e+00;
	v20 =	vmul.f32 v20, v0;
	v13 =	vmin.f32 v13, $6.000000000e+00  }
0x49: {  	v14 =	vsel vm5, v6, v14;
	v19 =	vmin.f32 v19, $6.000000000e+00;
	v22 =	vmul.f32 v13, v0  }
0x4a: {  	s0 =	simm.s32 $0x8140;
	vm5 =	vle.f32 v10, v3;
	v20 =	vadd.f32 v20, v2;
	v23 =	vmul.f32 v19, v0  }
0x4b: {  	s29 =	sshll.u32 s28, $0xC;
	s1 =	simm.s32 $0x0;
	[tilespmem:s0+$0x30] =	vst v14;
	v14 =	vsel vm4, v2, v24;
	v19 =	vadd.f32 v18, v2;
	v16 =	vadd.f32 v22, v2  }
0x4c: {  	s30 =	simm.s32 $0x81F0;
	s31 =	simm.s32 $0x1F0;
	s15 =	simm.s32 $0x340;
	v18 =	vsel vm3, v2, v63;
	v13 =	vsel vm6, v2, v20;
	v17 =	vadd.f32 v23, v2  }
.LBB2_3:
0x4d: {  	v20 =	vld [tilespmem:s15+$0x30];
	s1 =	sadd.s32 $0x8, s1;
	v15 =	vsel vm1, v2, v15;
	v19 =	vsel vm2, v2, v19;
	v16 =	vsel vm5, v2, v16  }
0x4e: {  	vm1 =	vgt.f32 v12, v5;
	vm2 =	vgt.f32 v9, v5;
	v21 =	vld [tilespmem:s15+$0xFFFFFFD0];
	p1 =	slt.u32 s1, $0xF8;
	v12 =	vsel vm7, v2, v17  }
0x4f: {  	vm3 =	vgt.f32 v7, v5;
	vm4 =	vgt.f32 v8, v5;
	vm5 =	vgt.f32 v10, v5;
	v9 =	vld [tilespmem:s15+$0xFFFFFFE0]  }
0x50: {  	v10 =	vsel vm1, v6, v13;
	v13 =	vsel vm0, v6, v18;
	vm0 =	vgt.f32 v11, v5;
	v7 =	vld [tilespmem:s15+$0xFFFFFFF0]  }
0x51: {  	v14 =	vsel vm2, v6, v14;
	v15 =	vsel vm3, v6, v15;
	v17 =	vsel vm4, v6, v19;
	v8 =	vld [tilespmem:s15+$0x0];
	[tilespmem:s0+$0xFFFFFFC0] =	vst v10  }
0x52: {  	v10 =	vld [tilespmem:s15+$0x10];
	v18 =	vmul.f32 v20, v4;
	[tilespmem:s0+$0xFFFFFFD0] =	vst v13;
	v13 =	vsel vm5, v6, v16;
	v16 =	vsel vm0, v6, v12  }
0x53: {  	v19 =	vmul.f32 v21, v4;
	vm3 =	vle.f32 v21, v3;
	vm0 =	vgt.f32 v21, v5;
	v11 =	vld [tilespmem:s15+$0x20];
	[tilespmem:s0+$0xFFFFFFE0] =	vst v14  }
0x54: {  	v12 =	vld [tilespmem:s15+$0xFFFFFFC0];
	v14 =	vmul.f32 v9, v4;
	vm4 =	vle.f32 v9, v3;
	v18 =	vadd.f32 v18, v1;
	[tilespmem:s0+$0xFFFFFFF0] =	vst v15  }
0x55: {  	v15 =	vadd.f32 v19, v1;
	v19 =	vmul.f32 v7, v4;
	vm1 =	vle.f32 v7, v3;
	[tilespmem:s0+$0x0] =	vst v17  }
0x56: {  	v14 =	vadd.f32 v14, v1;
	v17 =	vmul.f32 v8, v4;
	v18 =	vadd.f32 $8.388608000e+06, v18;
	[tilespmem:s0+$0x10] =	vst v13  }
0x57: {  	v13 =	vadd.f32 $8.388608000e+06, v15;
	v15 =	vadd.f32 v19, v1;
	v19 =	vmul.f32 v10, v4;
	[tilespmem:s0+$0x20] =	vst v16  }
0x58: {  	v16 =	vadd.f32 v17, v1;
	v17 =	vmul.f32 v11, v4;
	v18 =	vadd.f32 $-8.388608000e+06, v18  }
0x59: {  	v14 =	vadd.f32 $8.388608000e+06, v14;
	v21 =	vmul.f32 v12, v4;
	v19 =	vadd.f32 v19, v1  }
0x5a: {  	v15 =	vadd.f32 $8.388608000e+06, v15;
	v17 =	vadd.f32 v17, v1;
	v18 =	vmax.f32 v18, $2.000000000e+00  }
0x5b: {  	v16 =	vadd.f32 $8.388608000e+06, v16;
	v21 =	vadd.f32 v21, v1;
	v18 =	vmin.f32 v18, $6.000000000e+00  }
0x5c: {  	v19 =	vadd.f32 $8.388608000e+06, v19;
	v17 =	vadd.f32 $8.388608000e+06, v17;
	v18 =	vmul.f32 v18, v0  }
0x5d: {  	vm6 =	vle.f32 v12, v3;
	v13 =	vadd.f32 $-8.388608000e+06, v13;
	v21 =	vadd.f32 $8.388608000e+06, v21  }
0x5e: {  	vm2 =	vle.f32 v8, v3;
	v14 =	vadd.f32 $-8.388608000e+06, v14;
	v18 =	vadd.f32 v18, v2  }
0x5f: {  	vm5 =	vle.f32 v20, v3;
	v15 =	vadd.f32 $-8.388608000e+06, v15;
	v21 =	vadd.f32 $-8.388608000e+06, v21  }
0x60: {  	v16 =	vadd.f32 $-8.388608000e+06, v16;
	v18 =	vsel vm5, v2, v18;
	vm5 =	vgt.f32 v20, v5  }
0x61: {  	s0 =	sadd.s32 $0x200, s0;
	v19 =	vadd.f32 $-8.388608000e+06, v19;
	v17 =	vadd.f32 $-8.388608000e+06, v17;
	v18 =	vsel vm5, v6, v18  }
0x62: {  	v13 =	vmax.f32 v13, $2.000000000e+00;
	v14 =	vmax.f32 v14, $2.000000000e+00;
	v20 =	vmax.f32 v21, $2.000000000e+00;
	[tilespmem:s0+$0x30] =	vst v18  }
0x63: {  	v15 =	vmax.f32 v15, $2.000000000e+00;
	v16 =	vmax.f32 v16, $2.000000000e+00;
	v18 =	vmax.f32 v19, $2.000000000e+00  }
0x64: {  	v13 =	vmin.f32 v13, $6.000000000e+00;
	v17 =	vmax.f32 v17, $2.000000000e+00;
	v19 =	vmin.f32 v20, $6.000000000e+00  }
0x65: {  	v14 =	vmin.f32 v14, $6.000000000e+00;
	v15 =	vmin.f32 v15, $6.000000000e+00;
	v16 =	vmin.f32 v16, $6.000000000e+00  }
0x66: {  	v17 =	vmin.f32 v17, $6.000000000e+00;
	v19 =	vmul.f32 v19, v0;
	v18 =	vmin.f32 v18, $6.000000000e+00  }
0x67: {  	v13 =	vmul.f32 v13, v0;
	v14 =	vmul.f32 v14, v0;
	vm5 =	vle.f32 v10, v3  }
.Ltmp2:
0x68: {  	v15 =	vmul.f32 v15, v0;
	v16 =	vmul.f32 v16, v0;
	v19 =	vadd.f32 v19, v2;
	(pc) =	sbr.rel @p1 .LBB2_3-.Ltmp2, $4  }
0x69: {  	v20 =	vadd.f32 v13, v2;
	v17 =	vmul.f32 v17, v0;
	v18 =	vmul.f32 v18, v0  }
0x6a: {  	vm7 =	vle.f32 v11, v3;
	v14 =	vadd.f32 v14, v2;
	v15 =	vadd.f32 v15, v2  }
0x6b: {  	v13 =	vsel vm6, v2, v19;
	v19 =	vadd.f32 v16, v2;
	v16 =	vadd.f32 v18, v2  }
0x6c: {  	s15 =	sadd.s32 $0x200, s15;
	v14 =	vsel vm4, v2, v14;
	v17 =	vadd.f32 v17, v2;
	v18 =	vsel vm3, v2, v20  }
0x6d: {  	vm3 =	vgt.f32 v12, v5  }
0x6e: {  	v12 =	vsel vm3, v6, v13  }
0x6f: {  	vm3 =	vgt.f32 v9, v5;
	v9 =	vsel vm0, v6, v18;
	[tilespmem:s0+$0xFFFFFFC0] =	vst v12  }
0x70: {  	vm0 =	vgt.f32 v7, v5;
	v12 =	vsel vm1, v2, v15;
	v7 =	vsel vm3, v6, v14;
	[tilespmem:s0+$0xFFFFFFD0] =	vst v9  }
0x71: {  	v9 =	vsel vm2, v2, v19;
	vm1 =	vgt.f32 v8, v5;
	v8 =	vsel vm0, v6, v12;
	[tilespmem:s0+$0xFFFFFFE0] =	vst v7  }
0x72: {  	v7 =	vsel vm5, v2, v16;
	vm0 =	vgt.f32 v10, v5;
	v9 =	vsel vm1, v6, v9;
	[tilespmem:s0+$0xFFFFFFF0] =	vst v8  }
0x73: {  	vm1 =	vgt.f32 v11, v5;
	v8 =	vsel vm7, v2, v17;
	v7 =	vsel vm0, v6, v7;
	[tilespmem:s0+$0x0] =	vst v9  }
0x74: {  	v8 =	vsel vm1, v6, v8;
	[tilespmem:s0+$0x10] =	vst v7  }
0x75: {  	[tilespmem:s0+$0x20] =	vst v8  }
0x76: {  	v13 =	vld [tilespmem:s31+$0x0]  }
0x77: {  	v11 =	vld [tilespmem:s31+$0xFFFFFFA0]  }
0x78: {  	v9 =	vld [tilespmem:s31+$0xFFFFFFB0]  }
0x79: {  	v7 =	vld [tilespmem:s31+$0xFFFFFFC0]  }
0x7a: {  	v8 =	vld [tilespmem:s31+$0xFFFFFFD0]  }
0x7b: {  	v10 =	vld [tilespmem:s31+$0xFFFFFFE0]  }
0x7c: {  	v12 =	vld [tilespmem:s31+$0xFFFFFF90];
	_ =	sdelay $0x1  }
0x7d: {  	v14 =	vmul.f32 v13, v4;
	v15 =	vmul.f32 v11, v4  }
0x7e: {  	v16 =	vmul.f32 v9, v4;
	v17 =	vmul.f32 v7, v4  }
0x7f: {  	v18 =	vmul.f32 v8, v4;
	v19 =	vmul.f32 v10, v4;
	v14 =	vadd.f32 v14, v1  }
0x80: {  	v21 =	vmul.f32 v12, v4;
	v15 =	vadd.f32 v15, v1;
	v16 =	vadd.f32 v16, v1  }
0x81: {  	vm3 =	vle.f32 v11, v3;
	v17 =	vadd.f32 v17, v1;
	v18 =	vadd.f32 v18, v1  }
0x82: {  	vm0 =	vgt.f32 v11, v5;
	v11 =	vld [tilespmem:s31+$0xFFFFFFF0];
	v19 =	vadd.f32 v19, v1;
	v21 =	vadd.f32 v21, v1  }
0x83: {  	vm4 =	vle.f32 v9, v3;
	v14 =	vadd.f32 $8.388608000e+06, v14;
	v15 =	vadd.f32 $8.388608000e+06, v15  }
0x84: {  	vm1 =	vle.f32 v7, v3;
	v16 =	vadd.f32 $8.388608000e+06, v16;
	v17 =	vadd.f32 $8.388608000e+06, v17  }
0x85: {  	vm6 =	vle.f32 v12, v3;
	v18 =	vadd.f32 $8.388608000e+06, v18;
	v19 =	vadd.f32 $8.388608000e+06, v19  }
0x86: {  	vm2 =	vle.f32 v8, v3;
	v21 =	vadd.f32 $8.388608000e+06, v21;
	v14 =	vadd.f32 $-8.388608000e+06, v14  }
0x87: {  	v20 =	vmul.f32 v11, v4;
	v15 =	vadd.f32 $-8.388608000e+06, v15;
	v16 =	vadd.f32 $-8.388608000e+06, v16  }
0x88: {  	vm5 =	vle.f32 v13, v3;
	v21 =	vadd.f32 $-8.388608000e+06, v21;
	v17 =	vadd.f32 $-8.388608000e+06, v17  }
0x89: {  	vm7 =	vle.f32 v11, v3;
	v18 =	vadd.f32 $-8.388608000e+06, v18;
	v20 =	vadd.f32 v20, v1  }
0x8a: {  	v14 =	vmax.f32 v14, $2.000000000e+00;
	v15 =	vmax.f32 v15, $2.000000000e+00;
	v16 =	vmax.f32 v16, $2.000000000e+00  }
0x8b: {  	v17 =	vmax.f32 v17, $2.000000000e+00;
	v18 =	vmax.f32 v18, $2.000000000e+00;
	v14 =	vmin.f32 v14, $6.000000000e+00  }
0x8c: {  	v20 =	vadd.f32 $8.388608000e+06, v20;
	v15 =	vmin.f32 v15, $6.000000000e+00;
	v14 =	vmul.f32 v14, v0  }
0x8d: {  	v16 =	vmin.f32 v16, $6.000000000e+00;
	v17 =	vmin.f32 v17, $6.000000000e+00;
	v15 =	vmul.f32 v15, v0  }
0x8e: {  	v18 =	vmin.f32 v18, $6.000000000e+00;
	v16 =	vmul.f32 v16, v0;
	v14 =	vadd.f32 v14, v2  }
0x8f: {  	v17 =	vmul.f32 v17, v0;
	v18 =	vmul.f32 v18, v0;
	v63 =	vadd.f32 v15, v2  }
0x90: {  	v14 =	vsel vm5, v2, v14;
	vm5 =	vgt.f32 v13, v5;
	v13 =	vadd.f32 $-8.388608000e+06, v19  }
0x91: {  	v24 =	vadd.f32 v16, v2;
	v19 =	vadd.f32 $-8.388608000e+06, v20;
	v20 =	vmax.f32 v21, $2.000000000e+00  }
0x92: {  	v15 =	vadd.f32 v17, v2;
	v20 =	vmin.f32 v20, $6.000000000e+00;
	v13 =	vmax.f32 v13, $2.000000000e+00  }
0x93: {  	v19 =	vmax.f32 v19, $2.000000000e+00;
	v20 =	vmul.f32 v20, v0;
	v13 =	vmin.f32 v13, $6.000000000e+00  }
0x94: {  	v14 =	vsel vm5, v6, v14;
	v19 =	vmin.f32 v19, $6.000000000e+00;
	v22 =	vmul.f32 v13, v0  }
0x95: {  	vm5 =	vle.f32 v10, v3;
	v20 =	vadd.f32 v20, v2;
	v23 =	vmul.f32 v19, v0  }
0x96: {  	s1 =	simm.s32 $0x0;
	[tilespmem:s30+$0x0] =	vst v14;
	v14 =	vsel vm4, v2, v24;
	v19 =	vadd.f32 v18, v2;
	v16 =	vadd.f32 v22, v2  }
0x97: {  	s15 =	simm.s32 $0x3F0;
	s0 =	simm.s32 $0x270;
	s31 =	simm.s32 $0x8270;
	v18 =	vsel vm3, v2, v63;
	v13 =	vsel vm6, v2, v20;
	v17 =	vadd.f32 v23, v2  }
.LBB2_5:
0x98: {  	v20 =	vld [tilespmem:s15+$0x0];
	s1 =	sadd.s32 $0x8, s1;
	v15 =	vsel vm1, v2, v15;
	v19 =	vsel vm2, v2, v19;
	v16 =	vsel vm5, v2, v16  }
0x99: {  	vm1 =	vgt.f32 v12, v5;
	vm2 =	vgt.f32 v9, v5;
	v21 =	vld [tilespmem:s15+$0xFFFFFFA0];
	p1 =	slt.u32 s1, $0xF8;
	v12 =	vsel vm7, v2, v17  }
0x9a: {  	vm3 =	vgt.f32 v7, v5;
	vm4 =	vgt.f32 v8, v5;
	vm5 =	vgt.f32 v10, v5;
	v9 =	vld [tilespmem:s15+$0xFFFFFFB0]  }
0x9b: {  	v10 =	vsel vm1, v6, v13;
	v13 =	vsel vm0, v6, v18;
	vm0 =	vgt.f32 v11, v5;
	v7 =	vld [tilespmem:s15+$0xFFFFFFC0]  }
0x9c: {  	v14 =	vsel vm2, v6, v14;
	v15 =	vsel vm3, v6, v15;
	v17 =	vsel vm4, v6, v19;
	v8 =	vld [tilespmem:s15+$0xFFFFFFD0];
	[tilespmem:s30+$0xFFFFFF90] =	vst v10  }
0x9d: {  	v10 =	vld [tilespmem:s15+$0xFFFFFFE0];
	v18 =	vmul.f32 v20, v4;
	[tilespmem:s30+$0xFFFFFFA0] =	vst v13;
	v13 =	vsel vm5, v6, v16;
	v16 =	vsel vm0, v6, v12  }
0x9e: {  	v19 =	vmul.f32 v21, v4;
	vm3 =	vle.f32 v21, v3;
	vm0 =	vgt.f32 v21, v5;
	v11 =	vld [tilespmem:s15+$0xFFFFFFF0];
	[tilespmem:s30+$0xFFFFFFB0] =	vst v14  }
0x9f: {  	v12 =	vld [tilespmem:s15+$0xFFFFFF90];
	v14 =	vmul.f32 v9, v4;
	vm4 =	vle.f32 v9, v3;
	v18 =	vadd.f32 v18, v1;
	[tilespmem:s30+$0xFFFFFFC0] =	vst v15  }
0xa0: {  	v15 =	vadd.f32 v19, v1;
	v19 =	vmul.f32 v7, v4;
	vm1 =	vle.f32 v7, v3;
	[tilespmem:s30+$0xFFFFFFD0] =	vst v17  }
0xa1: {  	v14 =	vadd.f32 v14, v1;
	v17 =	vmul.f32 v8, v4;
	v18 =	vadd.f32 $8.388608000e+06, v18;
	[tilespmem:s30+$0xFFFFFFE0] =	vst v13  }
0xa2: {  	v13 =	vadd.f32 $8.388608000e+06, v15;
	v15 =	vadd.f32 v19, v1;
	v19 =	vmul.f32 v10, v4;
	[tilespmem:s30+$0xFFFFFFF0] =	vst v16  }
0xa3: {  	v16 =	vadd.f32 v17, v1;
	v17 =	vmul.f32 v11, v4;
	v18 =	vadd.f32 $-8.388608000e+06, v18  }
0xa4: {  	v14 =	vadd.f32 $8.388608000e+06, v14;
	v21 =	vmul.f32 v12, v4;
	v19 =	vadd.f32 v19, v1  }
0xa5: {  	v15 =	vadd.f32 $8.388608000e+06, v15;
	v17 =	vadd.f32 v17, v1;
	v18 =	vmax.f32 v18, $2.000000000e+00  }
0xa6: {  	v16 =	vadd.f32 $8.388608000e+06, v16;
	v21 =	vadd.f32 v21, v1;
	v18 =	vmin.f32 v18, $6.000000000e+00  }
0xa7: {  	v19 =	vadd.f32 $8.388608000e+06, v19;
	v17 =	vadd.f32 $8.388608000e+06, v17;
	v18 =	vmul.f32 v18, v0  }
0xa8: {  	vm6 =	vle.f32 v12, v3;
	v13 =	vadd.f32 $-8.388608000e+06, v13;
	v21 =	vadd.f32 $8.388608000e+06, v21  }
0xa9: {  	vm2 =	vle.f32 v8, v3;
	v14 =	vadd.f32 $-8.388608000e+06, v14;
	v18 =	vadd.f32 v18, v2  }
0xaa: {  	vm5 =	vle.f32 v20, v3;
	v15 =	vadd.f32 $-8.388608000e+06, v15;
	v21 =	vadd.f32 $-8.388608000e+06, v21  }
0xab: {  	v16 =	vadd.f32 $-8.388608000e+06, v16;
	v18 =	vsel vm5, v2, v18;
	vm5 =	vgt.f32 v20, v5  }
0xac: {  	s30 =	sadd.s32 $0x200, s30;
	v19 =	vadd.f32 $-8.388608000e+06, v19;
	v17 =	vadd.f32 $-8.388608000e+06, v17;
	v18 =	vsel vm5, v6, v18  }
0xad: {  	v13 =	vmax.f32 v13, $2.000000000e+00;
	v14 =	vmax.f32 v14, $2.000000000e+00;
	v20 =	vmax.f32 v21, $2.000000000e+00;
	[tilespmem:s30+$0x0] =	vst v18  }
0xae: {  	v15 =	vmax.f32 v15, $2.000000000e+00;
	v16 =	vmax.f32 v16, $2.000000000e+00;
	v18 =	vmax.f32 v19, $2.000000000e+00  }
0xaf: {  	v13 =	vmin.f32 v13, $6.000000000e+00;
	v17 =	vmax.f32 v17, $2.000000000e+00;
	v19 =	vmin.f32 v20, $6.000000000e+00  }
0xb0: {  	v14 =	vmin.f32 v14, $6.000000000e+00;
	v15 =	vmin.f32 v15, $6.000000000e+00;
	v16 =	vmin.f32 v16, $6.000000000e+00  }
0xb1: {  	v17 =	vmin.f32 v17, $6.000000000e+00;
	v19 =	vmul.f32 v19, v0;
	v18 =	vmin.f32 v18, $6.000000000e+00  }
0xb2: {  	v13 =	vmul.f32 v13, v0;
	v14 =	vmul.f32 v14, v0;
	vm5 =	vle.f32 v10, v3  }
.Ltmp3:
0xb3: {  	v15 =	vmul.f32 v15, v0;
	v16 =	vmul.f32 v16, v0;
	v19 =	vadd.f32 v19, v2;
	(pc) =	sbr.rel @p1 .LBB2_5-.Ltmp3, $4  }
0xb4: {  	v20 =	vadd.f32 v13, v2;
	v17 =	vmul.f32 v17, v0;
	v18 =	vmul.f32 v18, v0  }
0xb5: {  	vm7 =	vle.f32 v11, v3;
	v14 =	vadd.f32 v14, v2;
	v15 =	vadd.f32 v15, v2  }
0xb6: {  	v13 =	vsel vm6, v2, v19;
	v19 =	vadd.f32 v16, v2;
	v16 =	vadd.f32 v18, v2  }
0xb7: {  	s15 =	sadd.s32 $0x200, s15;
	v14 =	vsel vm4, v2, v14;
	v17 =	vadd.f32 v17, v2;
	v18 =	vsel vm3, v2, v20  }
0xb8: {  	vm3 =	vgt.f32 v12, v5  }
0xb9: {  	v12 =	vsel vm3, v6, v13  }
0xba: {  	vm3 =	vgt.f32 v9, v5;
	v9 =	vsel vm0, v6, v18;
	[tilespmem:s30+$0xFFFFFF90] =	vst v12  }
0xbb: {  	vm0 =	vgt.f32 v7, v5;
	v12 =	vsel vm1, v2, v15;
	v7 =	vsel vm3, v6, v14;
	[tilespmem:s30+$0xFFFFFFA0] =	vst v9  }
0xbc: {  	v9 =	vsel vm2, v2, v19;
	vm1 =	vgt.f32 v8, v5;
	v8 =	vsel vm0, v6, v12;
	[tilespmem:s30+$0xFFFFFFB0] =	vst v7  }
0xbd: {  	v7 =	vsel vm5, v2, v16;
	vm0 =	vgt.f32 v10, v5;
	v9 =	vsel vm1, v6, v9;
	[tilespmem:s30+$0xFFFFFFC0] =	vst v8  }
0xbe: {  	vm1 =	vgt.f32 v11, v5;
	v8 =	vsel vm7, v2, v17;
	v7 =	vsel vm0, v6, v7;
	[tilespmem:s30+$0xFFFFFFD0] =	vst v9  }
0xbf: {  	v8 =	vsel vm1, v6, v8;
	[tilespmem:s30+$0xFFFFFFE0] =	vst v7  }
0xc0: {  	[tilespmem:s30+$0xFFFFFFF0] =	vst v8  }
0xc1: {  	v13 =	vld [tilespmem:s0+$0x0]  }
0xc2: {  	v11 =	vld [tilespmem:s0+$0xFFFFFFA0]  }
0xc3: {  	v9 =	vld [tilespmem:s0+$0xFFFFFFB0]  }
0xc4: {  	v7 =	vld [tilespmem:s0+$0xFFFFFFC0]  }
0xc5: {  	v8 =	vld [tilespmem:s0+$0xFFFFFFD0]  }
0xc6: {  	v10 =	vld [tilespmem:s0+$0xFFFFFFE0]  }
0xc7: {  	v12 =	vld [tilespmem:s0+$0xFFFFFF90];
	_ =	sdelay $0x1  }
0xc8: {  	v14 =	vmul.f32 v13, v4;
	v15 =	vmul.f32 v11, v4  }
0xc9: {  	v16 =	vmul.f32 v9, v4;
	v17 =	vmul.f32 v7, v4  }
0xca: {  	v18 =	vmul.f32 v8, v4;
	v19 =	vmul.f32 v10, v4;
	v14 =	vadd.f32 v14, v1  }
0xcb: {  	v21 =	vmul.f32 v12, v4;
	v15 =	vadd.f32 v15, v1;
	v16 =	vadd.f32 v16, v1  }
0xcc: {  	vm3 =	vle.f32 v11, v3;
	v17 =	vadd.f32 v17, v1;
	v18 =	vadd.f32 v18, v1  }
0xcd: {  	vm0 =	vgt.f32 v11, v5;
	v11 =	vld [tilespmem:s0+$0xFFFFFFF0];
	v19 =	vadd.f32 v19, v1;
	v21 =	vadd.f32 v21, v1  }
0xce: {  	vm4 =	vle.f32 v9, v3;
	v14 =	vadd.f32 $8.388608000e+06, v14;
	v15 =	vadd.f32 $8.388608000e+06, v15  }
0xcf: {  	vm1 =	vle.f32 v7, v3;
	v16 =	vadd.f32 $8.388608000e+06, v16;
	v17 =	vadd.f32 $8.388608000e+06, v17  }
0xd0: {  	vm6 =	vle.f32 v12, v3;
	v18 =	vadd.f32 $8.388608000e+06, v18;
	v19 =	vadd.f32 $8.388608000e+06, v19  }
0xd1: {  	vm2 =	vle.f32 v8, v3;
	v21 =	vadd.f32 $8.388608000e+06, v21;
	v14 =	vadd.f32 $-8.388608000e+06, v14  }
0xd2: {  	v20 =	vmul.f32 v11, v4;
	v15 =	vadd.f32 $-8.388608000e+06, v15;
	v16 =	vadd.f32 $-8.388608000e+06, v16  }
0xd3: {  	vm5 =	vle.f32 v13, v3;
	v21 =	vadd.f32 $-8.388608000e+06, v21;
	v17 =	vadd.f32 $-8.388608000e+06, v17  }
0xd4: {  	vm7 =	vle.f32 v11, v3;
	v18 =	vadd.f32 $-8.388608000e+06, v18;
	v20 =	vadd.f32 v20, v1  }
0xd5: {  	v14 =	vmax.f32 v14, $2.000000000e+00;
	v15 =	vmax.f32 v15, $2.000000000e+00;
	v16 =	vmax.f32 v16, $2.000000000e+00  }
0xd6: {  	v17 =	vmax.f32 v17, $2.000000000e+00;
	v18 =	vmax.f32 v18, $2.000000000e+00;
	v14 =	vmin.f32 v14, $6.000000000e+00  }
0xd7: {  	v20 =	vadd.f32 $8.388608000e+06, v20;
	v15 =	vmin.f32 v15, $6.000000000e+00;
	v14 =	vmul.f32 v14, v0  }
0xd8: {  	v16 =	vmin.f32 v16, $6.000000000e+00;
	v17 =	vmin.f32 v17, $6.000000000e+00;
	v15 =	vmul.f32 v15, v0  }
0xd9: {  	v18 =	vmin.f32 v18, $6.000000000e+00;
	v16 =	vmul.f32 v16, v0;
	v14 =	vadd.f32 v14, v2  }
0xda: {  	v17 =	vmul.f32 v17, v0;
	v18 =	vmul.f32 v18, v0;
	v63 =	vadd.f32 v15, v2  }
0xdb: {  	v14 =	vsel vm5, v2, v14;
	vm5 =	vgt.f32 v13, v5;
	v13 =	vadd.f32 $-8.388608000e+06, v19  }
0xdc: {  	v24 =	vadd.f32 v16, v2;
	v19 =	vadd.f32 $-8.388608000e+06, v20;
	v20 =	vmax.f32 v21, $2.000000000e+00  }
0xdd: {  	v15 =	vadd.f32 v17, v2;
	v20 =	vmin.f32 v20, $6.000000000e+00;
	v13 =	vmax.f32 v13, $2.000000000e+00  }
0xde: {  	v19 =	vmax.f32 v19, $2.000000000e+00;
	v20 =	vmul.f32 v20, v0;
	v13 =	vmin.f32 v13, $6.000000000e+00  }
0xdf: {  	v14 =	vsel vm5, v6, v14;
	v19 =	vmin.f32 v19, $6.000000000e+00;
	v22 =	vmul.f32 v13, v0  }
0xe0: {  	vm5 =	vle.f32 v10, v3;
	v20 =	vadd.f32 v20, v2;
	v23 =	vmul.f32 v19, v0  }
0xe1: {  	s1 =	simm.s32 $0x0;
	[tilespmem:s31+$0x0] =	vst v14;
	v14 =	vsel vm4, v2, v24;
	v19 =	vadd.f32 v18, v2;
	v16 =	vadd.f32 v22, v2  }
0xe2: {  	s15 =	simm.s32 $0x470;
	s30 =	simm.s32 $0x82F0;
	s0 =	simm.s32 $0x2F0;
	v18 =	vsel vm3, v2, v63;
	v13 =	vsel vm6, v2, v20;
	v17 =	vadd.f32 v23, v2  }
.LBB2_7:
0xe3: {  	v20 =	vld [tilespmem:s15+$0x0];
	s1 =	sadd.s32 $0x8, s1;
	v15 =	vsel vm1, v2, v15;
	v19 =	vsel vm2, v2, v19;
	v16 =	vsel vm5, v2, v16  }
0xe4: {  	vm1 =	vgt.f32 v12, v5;
	vm2 =	vgt.f32 v9, v5;
	v21 =	vld [tilespmem:s15+$0xFFFFFFA0];
	p1 =	slt.u32 s1, $0xF8;
	v12 =	vsel vm7, v2, v17  }
0xe5: {  	vm3 =	vgt.f32 v7, v5;
	vm4 =	vgt.f32 v8, v5;
	vm5 =	vgt.f32 v10, v5;
	v9 =	vld [tilespmem:s15+$0xFFFFFFB0]  }
0xe6: {  	v10 =	vsel vm1, v6, v13;
	v13 =	vsel vm0, v6, v18;
	vm0 =	vgt.f32 v11, v5;
	v7 =	vld [tilespmem:s15+$0xFFFFFFC0]  }
0xe7: {  	v14 =	vsel vm2, v6, v14;
	v15 =	vsel vm3, v6, v15;
	v17 =	vsel vm4, v6, v19;
	v8 =	vld [tilespmem:s15+$0xFFFFFFD0];
	[tilespmem:s31+$0xFFFFFF90] =	vst v10  }
0xe8: {  	v10 =	vld [tilespmem:s15+$0xFFFFFFE0];
	v18 =	vmul.f32 v20, v4;
	[tilespmem:s31+$0xFFFFFFA0] =	vst v13;
	v13 =	vsel vm5, v6, v16;
	v16 =	vsel vm0, v6, v12  }
0xe9: {  	v19 =	vmul.f32 v21, v4;
	vm3 =	vle.f32 v21, v3;
	vm0 =	vgt.f32 v21, v5;
	v11 =	vld [tilespmem:s15+$0xFFFFFFF0];
	[tilespmem:s31+$0xFFFFFFB0] =	vst v14  }
0xea: {  	v12 =	vld [tilespmem:s15+$0xFFFFFF90];
	v14 =	vmul.f32 v9, v4;
	vm4 =	vle.f32 v9, v3;
	v18 =	vadd.f32 v18, v1;
	[tilespmem:s31+$0xFFFFFFC0] =	vst v15  }
0xeb: {  	v15 =	vadd.f32 v19, v1;
	v19 =	vmul.f32 v7, v4;
	vm1 =	vle.f32 v7, v3;
	[tilespmem:s31+$0xFFFFFFD0] =	vst v17  }
0xec: {  	v14 =	vadd.f32 v14, v1;
	v17 =	vmul.f32 v8, v4;
	v18 =	vadd.f32 $8.388608000e+06, v18;
	[tilespmem:s31+$0xFFFFFFE0] =	vst v13  }
0xed: {  	v13 =	vadd.f32 $8.388608000e+06, v15;
	v15 =	vadd.f32 v19, v1;
	v19 =	vmul.f32 v10, v4;
	[tilespmem:s31+$0xFFFFFFF0] =	vst v16  }
0xee: {  	v16 =	vadd.f32 v17, v1;
	v17 =	vmul.f32 v11, v4;
	v18 =	vadd.f32 $-8.388608000e+06, v18  }
0xef: {  	v14 =	vadd.f32 $8.388608000e+06, v14;
	v21 =	vmul.f32 v12, v4;
	v19 =	vadd.f32 v19, v1  }
0xf0: {  	v15 =	vadd.f32 $8.388608000e+06, v15;
	v17 =	vadd.f32 v17, v1;
	v18 =	vmax.f32 v18, $2.000000000e+00  }
0xf1: {  	v16 =	vadd.f32 $8.388608000e+06, v16;
	v21 =	vadd.f32 v21, v1;
	v18 =	vmin.f32 v18, $6.000000000e+00  }
0xf2: {  	v19 =	vadd.f32 $8.388608000e+06, v19;
	v17 =	vadd.f32 $8.388608000e+06, v17;
	v18 =	vmul.f32 v18, v0  }
0xf3: {  	vm6 =	vle.f32 v12, v3;
	v13 =	vadd.f32 $-8.388608000e+06, v13;
	v21 =	vadd.f32 $8.388608000e+06, v21  }
0xf4: {  	vm2 =	vle.f32 v8, v3;
	v14 =	vadd.f32 $-8.388608000e+06, v14;
	v18 =	vadd.f32 v18, v2  }
0xf5: {  	vm5 =	vle.f32 v20, v3;
	v15 =	vadd.f32 $-8.388608000e+06, v15;
	v21 =	vadd.f32 $-8.388608000e+06, v21  }
0xf6: {  	v16 =	vadd.f32 $-8.388608000e+06, v16;
	v18 =	vsel vm5, v2, v18;
	vm5 =	vgt.f32 v20, v5  }
0xf7: {  	s31 =	sadd.s32 $0x200, s31;
	v19 =	vadd.f32 $-8.388608000e+06, v19;
	v17 =	vadd.f32 $-8.388608000e+06, v17;
	v18 =	vsel vm5, v6, v18  }
0xf8: {  	v13 =	vmax.f32 v13, $2.000000000e+00;
	v14 =	vmax.f32 v14, $2.000000000e+00;
	v20 =	vmax.f32 v21, $2.000000000e+00;
	[tilespmem:s31+$0x0] =	vst v18  }
0xf9: {  	v15 =	vmax.f32 v15, $2.000000000e+00;
	v16 =	vmax.f32 v16, $2.000000000e+00;
	v18 =	vmax.f32 v19, $2.000000000e+00  }
0xfa: {  	v13 =	vmin.f32 v13, $6.000000000e+00;
	v17 =	vmax.f32 v17, $2.000000000e+00;
	v19 =	vmin.f32 v20, $6.000000000e+00  }
0xfb: {  	v14 =	vmin.f32 v14, $6.000000000e+00;
	v15 =	vmin.f32 v15, $6.000000000e+00;
	v16 =	vmin.f32 v16, $6.000000000e+00  }
0xfc: {  	v17 =	vmin.f32 v17, $6.000000000e+00;
	v19 =	vmul.f32 v19, v0;
	v18 =	vmin.f32 v18, $6.000000000e+00  }
0xfd: {  	v13 =	vmul.f32 v13, v0;
	v14 =	vmul.f32 v14, v0;
	vm5 =	vle.f32 v10, v3  }
.Ltmp4:
0xfe: {  	v15 =	vmul.f32 v15, v0;
	v16 =	vmul.f32 v16, v0;
	v19 =	vadd.f32 v19, v2;
	(pc) =	sbr.rel @p1 .LBB2_7-.Ltmp4, $4  }
0xff: {  	v20 =	vadd.f32 v13, v2;
	v17 =	vmul.f32 v17, v0;
	v18 =	vmul.f32 v18, v0  }
0x100: {  	vm7 =	vle.f32 v11, v3;
	v14 =	vadd.f32 v14, v2;
	v15 =	vadd.f32 v15, v2  }
0x101: {  	v13 =	vsel vm6, v2, v19;
	v19 =	vadd.f32 v16, v2;
	v16 =	vadd.f32 v18, v2  }
0x102: {  	s15 =	sadd.s32 $0x200, s15;
	v14 =	vsel vm4, v2, v14;
	v17 =	vadd.f32 v17, v2;
	v18 =	vsel vm3, v2, v20  }
0x103: {  	vm3 =	vgt.f32 v12, v5  }
0x104: {  	v12 =	vsel vm3, v6, v13  }
0x105: {  	vm3 =	vgt.f32 v9, v5;
	v9 =	vsel vm0, v6, v18;
	[tilespmem:s31+$0xFFFFFF90] =	vst v12  }
0x106: {  	vm0 =	vgt.f32 v7, v5;
	v12 =	vsel vm1, v2, v15;
	v7 =	vsel vm3, v6, v14;
	[tilespmem:s31+$0xFFFFFFA0] =	vst v9  }
0x107: {  	v9 =	vsel vm2, v2, v19;
	vm1 =	vgt.f32 v8, v5;
	v8 =	vsel vm0, v6, v12;
	[tilespmem:s31+$0xFFFFFFB0] =	vst v7  }
0x108: {  	v7 =	vsel vm5, v2, v16;
	vm0 =	vgt.f32 v10, v5;
	v9 =	vsel vm1, v6, v9;
	[tilespmem:s31+$0xFFFFFFC0] =	vst v8  }
0x109: {  	vm1 =	vgt.f32 v11, v5;
	v8 =	vsel vm7, v2, v17;
	v7 =	vsel vm0, v6, v7;
	[tilespmem:s31+$0xFFFFFFD0] =	vst v9  }
0x10a: {  	v8 =	vsel vm1, v6, v8;
	[tilespmem:s31+$0xFFFFFFE0] =	vst v7  }
0x10b: {  	[tilespmem:s31+$0xFFFFFFF0] =	vst v8  }
0x10c: {  	v13 =	vld [tilespmem:s0+$0x0]  }
0x10d: {  	v11 =	vld [tilespmem:s0+$0xFFFFFFA0]  }
0x10e: {  	v9 =	vld [tilespmem:s0+$0xFFFFFFB0]  }
0x10f: {  	v7 =	vld [tilespmem:s0+$0xFFFFFFC0]  }
0x110: {  	v8 =	vld [tilespmem:s0+$0xFFFFFFD0]  }
0x111: {  	v10 =	vld [tilespmem:s0+$0xFFFFFFE0]  }
0x112: {  	v12 =	vld [tilespmem:s0+$0xFFFFFF90];
	_ =	sdelay $0x1  }
0x113: {  	v14 =	vmul.f32 v13, v4;
	v15 =	vmul.f32 v11, v4  }
0x114: {  	v16 =	vmul.f32 v9, v4;
	v17 =	vmul.f32 v7, v4  }
0x115: {  	v18 =	vmul.f32 v8, v4;
	v19 =	vmul.f32 v10, v4;
	v14 =	vadd.f32 v14, v1  }
0x116: {  	v21 =	vmul.f32 v12, v4;
	v15 =	vadd.f32 v15, v1;
	v16 =	vadd.f32 v16, v1  }
0x117: {  	vm3 =	vle.f32 v11, v3;
	v17 =	vadd.f32 v17, v1;
	v18 =	vadd.f32 v18, v1  }
0x118: {  	vm0 =	vgt.f32 v11, v5;
	v11 =	vld [tilespmem:s0+$0xFFFFFFF0];
	v19 =	vadd.f32 v19, v1;
	v21 =	vadd.f32 v21, v1  }
0x119: {  	vm4 =	vle.f32 v9, v3;
	v14 =	vadd.f32 $8.388608000e+06, v14;
	v15 =	vadd.f32 $8.388608000e+06, v15  }
0x11a: {  	vm1 =	vle.f32 v7, v3;
	v16 =	vadd.f32 $8.388608000e+06, v16;
	v17 =	vadd.f32 $8.388608000e+06, v17  }
0x11b: {  	vm6 =	vle.f32 v12, v3;
	v18 =	vadd.f32 $8.388608000e+06, v18;
	v19 =	vadd.f32 $8.388608000e+06, v19  }
0x11c: {  	vm2 =	vle.f32 v8, v3;
	v21 =	vadd.f32 $8.388608000e+06, v21;
	v14 =	vadd.f32 $-8.388608000e+06, v14  }
0x11d: {  	v20 =	vmul.f32 v11, v4;
	v15 =	vadd.f32 $-8.388608000e+06, v15;
	v16 =	vadd.f32 $-8.388608000e+06, v16  }
0x11e: {  	vm5 =	vle.f32 v13, v3;
	v21 =	vadd.f32 $-8.388608000e+06, v21;
	v17 =	vadd.f32 $-8.388608000e+06, v17  }
0x11f: {  	vm7 =	vle.f32 v11, v3;
	v18 =	vadd.f32 $-8.388608000e+06, v18;
	v20 =	vadd.f32 v20, v1  }
0x120: {  	v14 =	vmax.f32 v14, $2.000000000e+00;
	v15 =	vmax.f32 v15, $2.000000000e+00;
	v16 =	vmax.f32 v16, $2.000000000e+00  }
0x121: {  	v17 =	vmax.f32 v17, $2.000000000e+00;
	v18 =	vmax.f32 v18, $2.000000000e+00;
	v14 =	vmin.f32 v14, $6.000000000e+00  }
0x122: {  	v20 =	vadd.f32 $8.388608000e+06, v20;
	v15 =	vmin.f32 v15, $6.000000000e+00;
	v14 =	vmul.f32 v14, v0  }
0x123: {  	v16 =	vmin.f32 v16, $6.000000000e+00;
	v17 =	vmin.f32 v17, $6.000000000e+00;
	v15 =	vmul.f32 v15, v0  }
0x124: {  	v18 =	vmin.f32 v18, $6.000000000e+00;
	v16 =	vmul.f32 v16, v0;
	v14 =	vadd.f32 v14, v2  }
0x125: {  	v17 =	vmul.f32 v17, v0;
	v63 =	vmul.f32 v18, v0;
	v15 =	vadd.f32 v15, v2  }
0x126: {  	v14 =	vsel vm5, v2, v14;
	vm5 =	vgt.f32 v13, v5;
	v13 =	vadd.f32 $-8.388608000e+06, v19  }
0x127: {  	v19 =	vadd.f32 $-8.388608000e+06, v20;
	v20 =	vsel vm5, v6, v14;
	v14 =	vmax.f32 v21, $2.000000000e+00  }
0x128: {  	v23 =	vadd.f32 v16, v2;
	v13 =	vmax.f32 v13, $2.000000000e+00;
	v14 =	vmin.f32 v14, $6.000000000e+00  }
0x129: {  	v19 =	vmax.f32 v19, $2.000000000e+00;
	v14 =	vmul.f32 v14, v0;
	v13 =	vmin.f32 v13, $6.000000000e+00  }
0x12a: {  	v18 =	vadd.f32 v17, v2;
	v19 =	vmin.f32 v19, $6.000000000e+00;
	v13 =	vmul.f32 v13, v0  }
0x12b: {  	v17 =	vsel vm3, v2, v15;
	v22 =	vmul.f32 v19, v0;
	v14 =	vadd.f32 v14, v2  }
0x12c: {  	vm5 =	vle.f32 v10, v3;
	v19 =	vadd.f32 v63, v2;
	v16 =	vadd.f32 v13, v2  }
0x12d: {  	s1 =	simm.s32 $0x4F0;
	s0 =	simm.s32 $0x0;
	[tilespmem:s30+$0x0] =	vst v20;
	v13 =	vsel vm4, v2, v23;
	v15 =	vadd.f32 v22, v2;
	v14 =	vsel vm6, v2, v14  }
.LBB2_9:
0x12e: {  	v20 =	vld [tilespmem:s1+$0x0];
	s0 =	sadd.s32 $0x8, s0;
	v18 =	vsel vm1, v2, v18;
	v19 =	vsel vm2, v2, v19;
	v16 =	vsel vm5, v2, v16  }
0x12f: {  	vm1 =	vgt.f32 v12, v5;
	vm2 =	vgt.f32 v9, v5;
	v21 =	vld [tilespmem:s1+$0xFFFFFFA0];
	p1 =	slt.u32 s0, $0xF8;
	v12 =	vsel vm7, v2, v15  }
0x130: {  	vm3 =	vgt.f32 v7, v5;
	vm4 =	vgt.f32 v8, v5;
	vm5 =	vgt.f32 v10, v5;
	v9 =	vld [tilespmem:s1+$0xFFFFFFB0]  }
0x131: {  	v10 =	vsel vm1, v6, v14;
	v14 =	vsel vm0, v6, v17;
	vm0 =	vgt.f32 v11, v5;
	v7 =	vld [tilespmem:s1+$0xFFFFFFC0]  }
0x132: {  	v13 =	vsel vm2, v6, v13;
	v15 =	vsel vm3, v6, v18;
	v17 =	vsel vm4, v6, v19;
	v8 =	vld [tilespmem:s1+$0xFFFFFFD0];
	[tilespmem:s30+$0xFFFFFF90] =	vst v10  }
0x133: {  	v10 =	vld [tilespmem:s1+$0xFFFFFFE0];
	v18 =	vmul.f32 v20, v4;
	[tilespmem:s30+$0xFFFFFFA0] =	vst v14;
	v14 =	vsel vm5, v6, v16;
	v16 =	vsel vm0, v6, v12  }
0x134: {  	v19 =	vmul.f32 v21, v4;
	vm3 =	vle.f32 v21, v3;
	vm0 =	vgt.f32 v21, v5;
	v11 =	vld [tilespmem:s1+$0xFFFFFFF0];
	[tilespmem:s30+$0xFFFFFFB0] =	vst v13  }
0x135: {  	v12 =	vld [tilespmem:s1+$0xFFFFFF90];
	v13 =	vmul.f32 v9, v4;
	vm4 =	vle.f32 v9, v3;
	v18 =	vadd.f32 v18, v1;
	[tilespmem:s30+$0xFFFFFFC0] =	vst v15  }
0x136: {  	v15 =	vadd.f32 v19, v1;
	v19 =	vmul.f32 v7, v4;
	vm1 =	vle.f32 v7, v3;
	[tilespmem:s30+$0xFFFFFFD0] =	vst v17  }
0x137: {  	v13 =	vadd.f32 v13, v1;
	v17 =	vmul.f32 v8, v4;
	v18 =	vadd.f32 $8.388608000e+06, v18;
	[tilespmem:s30+$0xFFFFFFE0] =	vst v14  }
0x138: {  	v14 =	vadd.f32 $8.388608000e+06, v15;
	v15 =	vadd.f32 v19, v1;
	v19 =	vmul.f32 v10, v4;
	[tilespmem:s30+$0xFFFFFFF0] =	vst v16  }
0x139: {  	v16 =	vadd.f32 v17, v1;
	v17 =	vmul.f32 v11, v4;
	v18 =	vadd.f32 $-8.388608000e+06, v18  }
0x13a: {  	v13 =	vadd.f32 $8.388608000e+06, v13;
	v21 =	vmul.f32 v12, v4;
	v19 =	vadd.f32 v19, v1  }
0x13b: {  	v15 =	vadd.f32 $8.388608000e+06, v15;
	v17 =	vadd.f32 v17, v1;
	v18 =	vmax.f32 v18, $2.000000000e+00  }
0x13c: {  	v16 =	vadd.f32 $8.388608000e+06, v16;
	v21 =	vadd.f32 v21, v1;
	v18 =	vmin.f32 v18, $6.000000000e+00  }
0x13d: {  	v19 =	vadd.f32 $8.388608000e+06, v19;
	v17 =	vadd.f32 $8.388608000e+06, v17;
	v18 =	vmul.f32 v18, v0  }
0x13e: {  	vm6 =	vle.f32 v12, v3;
	v14 =	vadd.f32 $-8.388608000e+06, v14;
	v21 =	vadd.f32 $8.388608000e+06, v21  }
0x13f: {  	vm2 =	vle.f32 v8, v3;
	v13 =	vadd.f32 $-8.388608000e+06, v13;
	v18 =	vadd.f32 v18, v2  }
0x140: {  	vm5 =	vle.f32 v20, v3;
	v15 =	vadd.f32 $-8.388608000e+06, v15;
	v21 =	vadd.f32 $-8.388608000e+06, v21  }
0x141: {  	v16 =	vadd.f32 $-8.388608000e+06, v16;
	v18 =	vsel vm5, v2, v18;
	vm5 =	vgt.f32 v20, v5  }
0x142: {  	s30 =	sadd.s32 $0x200, s30;
	v19 =	vadd.f32 $-8.388608000e+06, v19;
	v17 =	vadd.f32 $-8.388608000e+06, v17;
	v18 =	vsel vm5, v6, v18  }
0x143: {  	v14 =	vmax.f32 v14, $2.000000000e+00;
	v13 =	vmax.f32 v13, $2.000000000e+00;
	v20 =	vmax.f32 v21, $2.000000000e+00;
	[tilespmem:s30+$0x0] =	vst v18  }
0x144: {  	v15 =	vmax.f32 v15, $2.000000000e+00;
	v16 =	vmax.f32 v16, $2.000000000e+00;
	v18 =	vmax.f32 v19, $2.000000000e+00  }
0x145: {  	v14 =	vmin.f32 v14, $6.000000000e+00;
	v17 =	vmax.f32 v17, $2.000000000e+00;
	v19 =	vmin.f32 v20, $6.000000000e+00  }
0x146: {  	v13 =	vmin.f32 v13, $6.000000000e+00;
	v15 =	vmin.f32 v15, $6.000000000e+00;
	v16 =	vmin.f32 v16, $6.000000000e+00  }
0x147: {  	v17 =	vmin.f32 v17, $6.000000000e+00;
	v19 =	vmul.f32 v19, v0;
	v18 =	vmin.f32 v18, $6.000000000e+00  }
0x148: {  	v14 =	vmul.f32 v14, v0;
	v13 =	vmul.f32 v13, v0;
	vm5 =	vle.f32 v10, v3  }
.Ltmp5:
0x149: {  	v15 =	vmul.f32 v15, v0;
	v16 =	vmul.f32 v16, v0;
	v19 =	vadd.f32 v19, v2;
	(pc) =	sbr.rel @p1 .LBB2_9-.Ltmp5, $4  }
0x14a: {  	v20 =	vadd.f32 v14, v2;
	v22 =	vmul.f32 v17, v0;
	v21 =	vmul.f32 v18, v0  }
0x14b: {  	vm7 =	vle.f32 v11, v3;
	v13 =	vadd.f32 v13, v2;
	v18 =	vadd.f32 v15, v2  }
0x14c: {  	v14 =	vsel vm6, v2, v19;
	v19 =	vadd.f32 v16, v2;
	v16 =	vadd.f32 v21, v2  }
0x14d: {  	s1 =	sadd.s32 $0x200, s1;
	v13 =	vsel vm4, v2, v13;
	v17 =	vsel vm3, v2, v20;
	v15 =	vadd.f32 v22, v2  }
0x14e: {  	vm3 =	vgt.f32 v12, v5;
	v61 =	vsel vm0, v6, v17  }
0x14f: {  	vm11 =	vgt.f32 v9, v5;
	v12 =	vsel vm3, v6, v14;
	[tilespmem:s30+$0xFFFFFFA0] =	vst v61  }
0x150: {  	v62 =	vsel vm1, v2, v18;
	vm12 =	vgt.f32 v7, v5;
	v7 =	vsel vm11, v6, v13;
	[tilespmem:s30+$0xFFFFFF90] =	vst v12  }
0x151: {  	v63 =	vsel vm2, v2, v19;
	vm13 =	vgt.f32 v8, v5;
	p1 =	sne.s32 s28, $0x3;
	v8 =	vsel vm12, v6, v62;
	[tilespmem:s30+$0xFFFFFFB0] =	vst v7  }
.Ltmp6:
0x152: {  	vm14 =	vgt.f32 v10, v5;
	v9 =	vsel vm13, v6, v63;
	v7 =	vsel vm5, v2, v16;
	[tilespmem:s30+$0xFFFFFFC0] =	vst v8;
	(pc) =	sbr.rel @p1 .LBB2_12-.Ltmp6, $4  }
0x153: {  	vm15 =	vgt.f32 v11, v5;
	s0 =	sadd.s32 s9, s28;
	v8 =	vsel vm7, v2, v15;
	[tilespmem:s30+$0xFFFFFFD0] =	vst v9;
	v7 =	vsel vm14, v6, v7  }
0x154: {  	s0 =	sshll.u32 s0, $0xC;
	v8 =	vsel vm15, v6, v8;
	[tilespmem:s30+$0xFFFFFFE0] =	vst v7  }
0x155: {  	s0 =	sadd.s32 s7, s0;
	[tilespmem:s30+$0xFFFFFFF0] =	vst v8  }
0x156: {  	[hbm4b:s0+s16] =	stream.strided.scatter [tilespmem:s21], [sflag:$0x3], $0x4000, s17, s16, $0x38;
	[tilespmem:$0x10100] =	vst v63  }
.Ltmp7:
0x157: {  	(pc) =	sbr.rel .LBB2_13-.Ltmp7, $4  }
0x158: {  	_ = 	snop  }
0x159: {  	_ =	swait.ge [sflag:s22], $0x4000  }
0x15a: {  	[sflag:s22] =	ssyncset.done $0x0  }
0x15b: {  	[sflag:s22] =	ssyncadd.s32 $0xFFFFC000  }
.LBB2_12:
.Ltmp8:
0x15c: {  	s0 =	sadd.s32 s29, s10;
	(pc) =	sbr.rel @p0 .LBB2_14-.Ltmp8, $4  }
0x15d: {  	[tilespmem:s18], [sflag:$0x1] =	stream.strided.gather [hbm4b:s0+s16], $0x4000, s17, s16, $0x38;
	[tilespmem:$0x10100] =	vst v63  }
0x15e: {  	_ =	swait.ge [sflag:s22], $0x4000  }
0x15f: {  	[sflag:s22] =	ssyncset.done $0x0  }
0x160: {  	[sflag:s22] =	ssyncadd.s32 $0xFFFFC000  }
.LBB2_13:
0x161: {  	_ =	swait.ge [sflag:s23], $0x4000  }
0x162: {  	[sflag:s23] =	ssyncset.done $0x0  }
0x163: {  	[sflag:s23] =	ssyncadd.s32 $0xFFFFC000  }
.LBB2_14:
0x164: {  	s0 =	simm.s32 $0x4140  }
0x165: {  	v13 =	vld [tilespmem:s0+$0x30]  }
0x166: {  	v11 =	vld [tilespmem:s0+$0xFFFFFFD0]  }
0x167: {  	v9 =	vld [tilespmem:s0+$0xFFFFFFE0]  }
0x168: {  	v7 =	vld [tilespmem:s0+$0xFFFFFFF0]  }
0x169: {  	v8 =	vld [tilespmem:s0+$0x0]  }
0x16a: {  	v10 =	vld [tilespmem:s0+$0x10]  }
0x16b: {  	v12 =	vld [tilespmem:s0+$0xFFFFFFC0];
	_ =	sdelay $0x1  }
0x16c: {  	v14 =	vmul.f32 v13, v4;
	v15 =	vmul.f32 v11, v4  }
0x16d: {  	v16 =	vmul.f32 v9, v4;
	v17 =	vmul.f32 v7, v4  }
0x16e: {  	v18 =	vmul.f32 v8, v4;
	v19 =	vmul.f32 v10, v4;
	v14 =	vadd.f32 v14, v1  }
0x16f: {  	v21 =	vmul.f32 v12, v4;
	v15 =	vadd.f32 v15, v1;
	v16 =	vadd.f32 v16, v1  }
0x170: {  	vm3 =	vle.f32 v11, v3;
	v17 =	vadd.f32 v17, v1;
	v18 =	vadd.f32 v18, v1  }
0x171: {  	vm0 =	vgt.f32 v11, v5;
	v11 =	vld [tilespmem:s0+$0x20];
	v19 =	vadd.f32 v19, v1;
	v21 =	vadd.f32 v21, v1  }
0x172: {  	vm4 =	vle.f32 v9, v3;
	v14 =	vadd.f32 $8.388608000e+06, v14;
	v15 =	vadd.f32 $8.388608000e+06, v15  }
0x173: {  	vm1 =	vle.f32 v7, v3;
	v16 =	vadd.f32 $8.388608000e+06, v16;
	v17 =	vadd.f32 $8.388608000e+06, v17  }
0x174: {  	vm6 =	vle.f32 v12, v3;
	v18 =	vadd.f32 $8.388608000e+06, v18;
	v19 =	vadd.f32 $8.388608000e+06, v19  }
0x175: {  	vm2 =	vle.f32 v8, v3;
	v21 =	vadd.f32 $8.388608000e+06, v21;
	v14 =	vadd.f32 $-8.388608000e+06, v14  }
0x176: {  	v20 =	vmul.f32 v11, v4;
	v15 =	vadd.f32 $-8.388608000e+06, v15;
	v16 =	vadd.f32 $-8.388608000e+06, v16  }
0x177: {  	vm5 =	vle.f32 v13, v3;
	v21 =	vadd.f32 $-8.388608000e+06, v21;
	v17 =	vadd.f32 $-8.388608000e+06, v17  }
0x178: {  	vm7 =	vle.f32 v11, v3;
	v18 =	vadd.f32 $-8.388608000e+06, v18;
	v20 =	vadd.f32 v20, v1  }
0x179: {  	v14 =	vmax.f32 v14, $2.000000000e+00;
	v15 =	vmax.f32 v15, $2.000000000e+00;
	v16 =	vmax.f32 v16, $2.000000000e+00  }
0x17a: {  	v17 =	vmax.f32 v17, $2.000000000e+00;
	v18 =	vmax.f32 v18, $2.000000000e+00;
	v14 =	vmin.f32 v14, $6.000000000e+00  }
0x17b: {  	v20 =	vadd.f32 $8.388608000e+06, v20;
	v15 =	vmin.f32 v15, $6.000000000e+00;
	v14 =	vmul.f32 v14, v0  }
0x17c: {  	v16 =	vmin.f32 v16, $6.000000000e+00;
	v17 =	vmin.f32 v17, $6.000000000e+00;
	v15 =	vmul.f32 v15, v0  }
0x17d: {  	v18 =	vmin.f32 v18, $6.000000000e+00;
	v16 =	vmul.f32 v16, v0;
	v14 =	vadd.f32 v14, v2  }
0x17e: {  	v17 =	vmul.f32 v17, v0;
	v18 =	vmul.f32 v18, v0;
	v63 =	vadd.f32 v15, v2  }
0x17f: {  	v14 =	vsel vm5, v2, v14;
	vm5 =	vgt.f32 v13, v5;
	v13 =	vadd.f32 $-8.388608000e+06, v19  }
0x180: {  	v24 =	vadd.f32 v16, v2;
	v19 =	vadd.f32 $-8.388608000e+06, v20;
	v20 =	vmax.f32 v21, $2.000000000e+00  }
0x181: {  	v15 =	vadd.f32 v17, v2;
	v20 =	vmin.f32 v20, $6.000000000e+00;
	v13 =	vmax.f32 v13, $2.000000000e+00  }
0x182: {  	v19 =	vmax.f32 v19, $2.000000000e+00;
	v20 =	vmul.f32 v20, v0;
	v13 =	vmin.f32 v13, $6.000000000e+00  }
0x183: {  	v14 =	vsel vm5, v6, v14;
	v19 =	vmin.f32 v19, $6.000000000e+00;
	v22 =	vmul.f32 v13, v0  }
0x184: {  	s31 =	simm.s32 $0xC140;
	vm5 =	vle.f32 v10, v3;
	v20 =	vadd.f32 v20, v2;
	v23 =	vmul.f32 v19, v0  }
0x185: {  	s1 =	simm.s32 $0x0;
	[tilespmem:s31+$0x30] =	vst v14;
	v14 =	vsel vm4, v2, v24;
	v19 =	vadd.f32 v18, v2;
	v16 =	vadd.f32 v22, v2  }
0x186: {  	s30 =	simm.s32 $0xC1F0;
	s15 =	simm.s32 $0x4340;
	s0 =	simm.s32 $0x41F0;
	v18 =	vsel vm3, v2, v63;
	v13 =	vsel vm6, v2, v20;
	v17 =	vadd.f32 v23, v2  }
.LBB2_15:
0x187: {  	v20 =	vld [tilespmem:s15+$0x30];
	s1 =	sadd.s32 $0x8, s1;
	v15 =	vsel vm1, v2, v15;
	v19 =	vsel vm2, v2, v19;
	v16 =	vsel vm5, v2, v16  }
0x188: {  	vm1 =	vgt.f32 v12, v5;
	vm2 =	vgt.f32 v9, v5;
	v21 =	vld [tilespmem:s15+$0xFFFFFFD0];
	p0 =	slt.u32 s1, $0xF8;
	v12 =	vsel vm7, v2, v17  }
0x189: {  	vm3 =	vgt.f32 v7, v5;
	vm4 =	vgt.f32 v8, v5;
	vm5 =	vgt.f32 v10, v5;
	v9 =	vld [tilespmem:s15+$0xFFFFFFE0]  }
0x18a: {  	v10 =	vsel vm1, v6, v13;
	v13 =	vsel vm0, v6, v18;
	vm0 =	vgt.f32 v11, v5;
	v7 =	vld [tilespmem:s15+$0xFFFFFFF0]  }
0x18b: {  	v14 =	vsel vm2, v6, v14;
	v15 =	vsel vm3, v6, v15;
	v17 =	vsel vm4, v6, v19;
	v8 =	vld [tilespmem:s15+$0x0];
	[tilespmem:s31+$0xFFFFFFC0] =	vst v10  }
0x18c: {  	v10 =	vld [tilespmem:s15+$0x10];
	v18 =	vmul.f32 v20, v4;
	[tilespmem:s31+$0xFFFFFFD0] =	vst v13;
	v13 =	vsel vm5, v6, v16;
	v16 =	vsel vm0, v6, v12  }
0x18d: {  	v19 =	vmul.f32 v21, v4;
	vm3 =	vle.f32 v21, v3;
	vm0 =	vgt.f32 v21, v5;
	v11 =	vld [tilespmem:s15+$0x20];
	[tilespmem:s31+$0xFFFFFFE0] =	vst v14  }
0x18e: {  	v12 =	vld [tilespmem:s15+$0xFFFFFFC0];
	v14 =	vmul.f32 v9, v4;
	vm4 =	vle.f32 v9, v3;
	v18 =	vadd.f32 v18, v1;
	[tilespmem:s31+$0xFFFFFFF0] =	vst v15  }
0x18f: {  	v15 =	vadd.f32 v19, v1;
	v19 =	vmul.f32 v7, v4;
	vm1 =	vle.f32 v7, v3;
	[tilespmem:s31+$0x0] =	vst v17  }
0x190: {  	v14 =	vadd.f32 v14, v1;
	v17 =	vmul.f32 v8, v4;
	v18 =	vadd.f32 $8.388608000e+06, v18;
	[tilespmem:s31+$0x10] =	vst v13  }
0x191: {  	v13 =	vadd.f32 $8.388608000e+06, v15;
	v15 =	vadd.f32 v19, v1;
	v19 =	vmul.f32 v10, v4;
	[tilespmem:s31+$0x20] =	vst v16  }
0x192: {  	v16 =	vadd.f32 v17, v1;
	v17 =	vmul.f32 v11, v4;
	v18 =	vadd.f32 $-8.388608000e+06, v18  }
0x193: {  	v14 =	vadd.f32 $8.388608000e+06, v14;
	v21 =	vmul.f32 v12, v4;
	v19 =	vadd.f32 v19, v1  }
0x194: {  	v15 =	vadd.f32 $8.388608000e+06, v15;
	v17 =	vadd.f32 v17, v1;
	v18 =	vmax.f32 v18, $2.000000000e+00  }
0x195: {  	v16 =	vadd.f32 $8.388608000e+06, v16;
	v21 =	vadd.f32 v21, v1;
	v18 =	vmin.f32 v18, $6.000000000e+00  }
0x196: {  	v19 =	vadd.f32 $8.388608000e+06, v19;
	v17 =	vadd.f32 $8.388608000e+06, v17;
	v18 =	vmul.f32 v18, v0  }
0x197: {  	vm6 =	vle.f32 v12, v3;
	v13 =	vadd.f32 $-8.388608000e+06, v13;
	v21 =	vadd.f32 $8.388608000e+06, v21  }
0x198: {  	vm2 =	vle.f32 v8, v3;
	v14 =	vadd.f32 $-8.388608000e+06, v14;
	v18 =	vadd.f32 v18, v2  }
0x199: {  	vm5 =	vle.f32 v20, v3;
	v15 =	vadd.f32 $-8.388608000e+06, v15;
	v21 =	vadd.f32 $-8.388608000e+06, v21  }
0x19a: {  	v16 =	vadd.f32 $-8.388608000e+06, v16;
	v18 =	vsel vm5, v2, v18;
	vm5 =	vgt.f32 v20, v5  }
0x19b: {  	s31 =	sadd.s32 $0x200, s31;
	v19 =	vadd.f32 $-8.388608000e+06, v19;
	v17 =	vadd.f32 $-8.388608000e+06, v17;
	v18 =	vsel vm5, v6, v18  }
0x19c: {  	v13 =	vmax.f32 v13, $2.000000000e+00;
	v14 =	vmax.f32 v14, $2.000000000e+00;
	v20 =	vmax.f32 v21, $2.000000000e+00;
	[tilespmem:s31+$0x30] =	vst v18  }
0x19d: {  	v15 =	vmax.f32 v15, $2.000000000e+00;
	v16 =	vmax.f32 v16, $2.000000000e+00;
	v18 =	vmax.f32 v19, $2.000000000e+00  }
0x19e: {  	v13 =	vmin.f32 v13, $6.000000000e+00;
	v17 =	vmax.f32 v17, $2.000000000e+00;
	v19 =	vmin.f32 v20, $6.000000000e+00  }
0x19f: {  	v14 =	vmin.f32 v14, $6.000000000e+00;
	v15 =	vmin.f32 v15, $6.000000000e+00;
	v16 =	vmin.f32 v16, $6.000000000e+00  }
0x1a0: {  	v17 =	vmin.f32 v17, $6.000000000e+00;
	v19 =	vmul.f32 v19, v0;
	v18 =	vmin.f32 v18, $6.000000000e+00  }
0x1a1: {  	v13 =	vmul.f32 v13, v0;
	v14 =	vmul.f32 v14, v0;
	vm5 =	vle.f32 v10, v3  }
.Ltmp9:
0x1a2: {  	v15 =	vmul.f32 v15, v0;
	v16 =	vmul.f32 v16, v0;
	v19 =	vadd.f32 v19, v2;
	(pc) =	sbr.rel @p0 .LBB2_15-.Ltmp9, $4  }
0x1a3: {  	v20 =	vadd.f32 v13, v2;
	v17 =	vmul.f32 v17, v0;
	v18 =	vmul.f32 v18, v0  }
0x1a4: {  	vm7 =	vle.f32 v11, v3;
	v14 =	vadd.f32 v14, v2;
	v15 =	vadd.f32 v15, v2  }
0x1a5: {  	v13 =	vsel vm6, v2, v19;
	v19 =	vadd.f32 v16, v2;
	v16 =	vadd.f32 v18, v2  }
0x1a6: {  	s15 =	sadd.s32 $0x200, s15;
	v14 =	vsel vm4, v2, v14;
	v17 =	vadd.f32 v17, v2;
	v18 =	vsel vm3, v2, v20  }
0x1a7: {  	vm3 =	vgt.f32 v12, v5  }
0x1a8: {  	v12 =	vsel vm3, v6, v13  }
0x1a9: {  	vm3 =	vgt.f32 v9, v5;
	v9 =	vsel vm0, v6, v18;
	[tilespmem:s31+$0xFFFFFFC0] =	vst v12  }
0x1aa: {  	vm0 =	vgt.f32 v7, v5;
	v12 =	vsel vm1, v2, v15;
	v7 =	vsel vm3, v6, v14;
	[tilespmem:s31+$0xFFFFFFD0] =	vst v9  }
0x1ab: {  	v9 =	vsel vm2, v2, v19;
	vm1 =	vgt.f32 v8, v5;
	v8 =	vsel vm0, v6, v12;
	[tilespmem:s31+$0xFFFFFFE0] =	vst v7  }
0x1ac: {  	v7 =	vsel vm5, v2, v16;
	vm0 =	vgt.f32 v10, v5;
	v9 =	vsel vm1, v6, v9;
	[tilespmem:s31+$0xFFFFFFF0] =	vst v8  }
0x1ad: {  	vm1 =	vgt.f32 v11, v5;
	v8 =	vsel vm7, v2, v17;
	v7 =	vsel vm0, v6, v7;
	[tilespmem:s31+$0x0] =	vst v9  }
0x1ae: {  	v8 =	vsel vm1, v6, v8;
	[tilespmem:s31+$0x10] =	vst v7  }
0x1af: {  	[tilespmem:s31+$0x20] =	vst v8  }
0x1b0: {  	v13 =	vld [tilespmem:s0+$0x0]  }
0x1b1: {  	v11 =	vld [tilespmem:s0+$0xFFFFFFA0]  }
0x1b2: {  	v9 =	vld [tilespmem:s0+$0xFFFFFFB0]  }
0x1b3: {  	v7 =	vld [tilespmem:s0+$0xFFFFFFC0]  }
0x1b4: {  	v8 =	vld [tilespmem:s0+$0xFFFFFFD0]  }
0x1b5: {  	v10 =	vld [tilespmem:s0+$0xFFFFFFE0]  }
0x1b6: {  	v12 =	vld [tilespmem:s0+$0xFFFFFF90];
	_ =	sdelay $0x1  }
0x1b7: {  	v14 =	vmul.f32 v13, v4;
	v15 =	vmul.f32 v11, v4  }
0x1b8: {  	v16 =	vmul.f32 v9, v4;
	v17 =	vmul.f32 v7, v4  }
0x1b9: {  	v18 =	vmul.f32 v8, v4;
	v19 =	vmul.f32 v10, v4;
	v14 =	vadd.f32 v14, v1  }
0x1ba: {  	v21 =	vmul.f32 v12, v4;
	v15 =	vadd.f32 v15, v1;
	v16 =	vadd.f32 v16, v1  }
0x1bb: {  	vm3 =	vle.f32 v11, v3;
	v17 =	vadd.f32 v17, v1;
	v18 =	vadd.f32 v18, v1  }
0x1bc: {  	vm0 =	vgt.f32 v11, v5;
	v11 =	vld [tilespmem:s0+$0xFFFFFFF0];
	v19 =	vadd.f32 v19, v1;
	v21 =	vadd.f32 v21, v1  }
0x1bd: {  	vm4 =	vle.f32 v9, v3;
	v14 =	vadd.f32 $8.388608000e+06, v14;
	v15 =	vadd.f32 $8.388608000e+06, v15  }
0x1be: {  	vm1 =	vle.f32 v7, v3;
	v16 =	vadd.f32 $8.388608000e+06, v16;
	v17 =	vadd.f32 $8.388608000e+06, v17  }
0x1bf: {  	vm6 =	vle.f32 v12, v3;
	v18 =	vadd.f32 $8.388608000e+06, v18;
	v19 =	vadd.f32 $8.388608000e+06, v19  }
0x1c0: {  	vm2 =	vle.f32 v8, v3;
	v21 =	vadd.f32 $8.388608000e+06, v21;
	v14 =	vadd.f32 $-8.388608000e+06, v14  }
0x1c1: {  	v20 =	vmul.f32 v11, v4;
	v15 =	vadd.f32 $-8.388608000e+06, v15;
	v16 =	vadd.f32 $-8.388608000e+06, v16  }
0x1c2: {  	vm5 =	vle.f32 v13, v3;
	v21 =	vadd.f32 $-8.388608000e+06, v21;
	v17 =	vadd.f32 $-8.388608000e+06, v17  }
0x1c3: {  	vm7 =	vle.f32 v11, v3;
	v18 =	vadd.f32 $-8.388608000e+06, v18;
	v20 =	vadd.f32 v20, v1  }
0x1c4: {  	v14 =	vmax.f32 v14, $2.000000000e+00;
	v15 =	vmax.f32 v15, $2.000000000e+00;
	v16 =	vmax.f32 v16, $2.000000000e+00  }
0x1c5: {  	v17 =	vmax.f32 v17, $2.000000000e+00;
	v18 =	vmax.f32 v18, $2.000000000e+00;
	v14 =	vmin.f32 v14, $6.000000000e+00  }
0x1c6: {  	v20 =	vadd.f32 $8.388608000e+06, v20;
	v15 =	vmin.f32 v15, $6.000000000e+00;
	v14 =	vmul.f32 v14, v0  }
0x1c7: {  	v16 =	vmin.f32 v16, $6.000000000e+00;
	v17 =	vmin.f32 v17, $6.000000000e+00;
	v15 =	vmul.f32 v15, v0  }
0x1c8: {  	v18 =	vmin.f32 v18, $6.000000000e+00;
	v16 =	vmul.f32 v16, v0;
	v14 =	vadd.f32 v14, v2  }
0x1c9: {  	v17 =	vmul.f32 v17, v0;
	v18 =	vmul.f32 v18, v0;
	v63 =	vadd.f32 v15, v2  }
0x1ca: {  	v14 =	vsel vm5, v2, v14;
	vm5 =	vgt.f32 v13, v5;
	v13 =	vadd.f32 $-8.388608000e+06, v19  }
0x1cb: {  	v24 =	vadd.f32 v16, v2;
	v19 =	vadd.f32 $-8.388608000e+06, v20;
	v20 =	vmax.f32 v21, $2.000000000e+00  }
0x1cc: {  	v15 =	vadd.f32 v17, v2;
	v20 =	vmin.f32 v20, $6.000000000e+00;
	v13 =	vmax.f32 v13, $2.000000000e+00  }
0x1cd: {  	v19 =	vmax.f32 v19, $2.000000000e+00;
	v20 =	vmul.f32 v20, v0;
	v13 =	vmin.f32 v13, $6.000000000e+00  }
0x1ce: {  	v14 =	vsel vm5, v6, v14;
	v19 =	vmin.f32 v19, $6.000000000e+00;
	v22 =	vmul.f32 v13, v0  }
0x1cf: {  	vm5 =	vle.f32 v10, v3;
	v20 =	vadd.f32 v20, v2;
	v23 =	vmul.f32 v19, v0  }
0x1d0: {  	s1 =	simm.s32 $0x0;
	[tilespmem:s30+$0x0] =	vst v14;
	v14 =	vsel vm4, v2, v24;
	v19 =	vadd.f32 v18, v2;
	v16 =	vadd.f32 v22, v2  }
0x1d1: {  	s15 =	simm.s32 $0x43F0;
	s31 =	simm.s32 $0xC270;
	s0 =	simm.s32 $0x4270;
	v18 =	vsel vm3, v2, v63;
	v13 =	vsel vm6, v2, v20;
	v17 =	vadd.f32 v23, v2  }
.LBB2_17:
0x1d2: {  	v20 =	vld [tilespmem:s15+$0x0];
	s1 =	sadd.s32 $0x8, s1;
	v15 =	vsel vm1, v2, v15;
	v19 =	vsel vm2, v2, v19;
	v16 =	vsel vm5, v2, v16  }
0x1d3: {  	vm1 =	vgt.f32 v12, v5;
	vm2 =	vgt.f32 v9, v5;
	v21 =	vld [tilespmem:s15+$0xFFFFFFA0];
	p0 =	slt.u32 s1, $0xF8;
	v12 =	vsel vm7, v2, v17  }
0x1d4: {  	vm3 =	vgt.f32 v7, v5;
	vm4 =	vgt.f32 v8, v5;
	vm5 =	vgt.f32 v10, v5;
	v9 =	vld [tilespmem:s15+$0xFFFFFFB0]  }
0x1d5: {  	v10 =	vsel vm1, v6, v13;
	v13 =	vsel vm0, v6, v18;
	vm0 =	vgt.f32 v11, v5;
	v7 =	vld [tilespmem:s15+$0xFFFFFFC0]  }
0x1d6: {  	v14 =	vsel vm2, v6, v14;
	v15 =	vsel vm3, v6, v15;
	v17 =	vsel vm4, v6, v19;
	v8 =	vld [tilespmem:s15+$0xFFFFFFD0];
	[tilespmem:s30+$0xFFFFFF90] =	vst v10  }
0x1d7: {  	v10 =	vld [tilespmem:s15+$0xFFFFFFE0];
	v18 =	vmul.f32 v20, v4;
	[tilespmem:s30+$0xFFFFFFA0] =	vst v13;
	v13 =	vsel vm5, v6, v16;
	v16 =	vsel vm0, v6, v12  }
0x1d8: {  	v19 =	vmul.f32 v21, v4;
	vm3 =	vle.f32 v21, v3;
	vm0 =	vgt.f32 v21, v5;
	v11 =	vld [tilespmem:s15+$0xFFFFFFF0];
	[tilespmem:s30+$0xFFFFFFB0] =	vst v14  }
0x1d9: {  	v12 =	vld [tilespmem:s15+$0xFFFFFF90];
	v14 =	vmul.f32 v9, v4;
	vm4 =	vle.f32 v9, v3;
	v18 =	vadd.f32 v18, v1;
	[tilespmem:s30+$0xFFFFFFC0] =	vst v15  }
0x1da: {  	v15 =	vadd.f32 v19, v1;
	v19 =	vmul.f32 v7, v4;
	vm1 =	vle.f32 v7, v3;
	[tilespmem:s30+$0xFFFFFFD0] =	vst v17  }
0x1db: {  	v14 =	vadd.f32 v14, v1;
	v17 =	vmul.f32 v8, v4;
	v18 =	vadd.f32 $8.388608000e+06, v18;
	[tilespmem:s30+$0xFFFFFFE0] =	vst v13  }
0x1dc: {  	v13 =	vadd.f32 $8.388608000e+06, v15;
	v15 =	vadd.f32 v19, v1;
	v19 =	vmul.f32 v10, v4;
	[tilespmem:s30+$0xFFFFFFF0] =	vst v16  }
0x1dd: {  	v16 =	vadd.f32 v17, v1;
	v17 =	vmul.f32 v11, v4;
	v18 =	vadd.f32 $-8.388608000e+06, v18  }
0x1de: {  	v14 =	vadd.f32 $8.388608000e+06, v14;
	v21 =	vmul.f32 v12, v4;
	v19 =	vadd.f32 v19, v1  }
0x1df: {  	v15 =	vadd.f32 $8.388608000e+06, v15;
	v17 =	vadd.f32 v17, v1;
	v18 =	vmax.f32 v18, $2.000000000e+00  }
0x1e0: {  	v16 =	vadd.f32 $8.388608000e+06, v16;
	v21 =	vadd.f32 v21, v1;
	v18 =	vmin.f32 v18, $6.000000000e+00  }
0x1e1: {  	v19 =	vadd.f32 $8.388608000e+06, v19;
	v17 =	vadd.f32 $8.388608000e+06, v17;
	v18 =	vmul.f32 v18, v0  }
0x1e2: {  	vm6 =	vle.f32 v12, v3;
	v13 =	vadd.f32 $-8.388608000e+06, v13;
	v21 =	vadd.f32 $8.388608000e+06, v21  }
0x1e3: {  	vm2 =	vle.f32 v8, v3;
	v14 =	vadd.f32 $-8.388608000e+06, v14;
	v18 =	vadd.f32 v18, v2  }
0x1e4: {  	vm5 =	vle.f32 v20, v3;
	v15 =	vadd.f32 $-8.388608000e+06, v15;
	v21 =	vadd.f32 $-8.388608000e+06, v21  }
0x1e5: {  	v16 =	vadd.f32 $-8.388608000e+06, v16;
	v18 =	vsel vm5, v2, v18;
	vm5 =	vgt.f32 v20, v5  }
0x1e6: {  	s30 =	sadd.s32 $0x200, s30;
	v19 =	vadd.f32 $-8.388608000e+06, v19;
	v17 =	vadd.f32 $-8.388608000e+06, v17;
	v18 =	vsel vm5, v6, v18  }
0x1e7: {  	v13 =	vmax.f32 v13, $2.000000000e+00;
	v14 =	vmax.f32 v14, $2.000000000e+00;
	v20 =	vmax.f32 v21, $2.000000000e+00;
	[tilespmem:s30+$0x0] =	vst v18  }
0x1e8: {  	v15 =	vmax.f32 v15, $2.000000000e+00;
	v16 =	vmax.f32 v16, $2.000000000e+00;
	v18 =	vmax.f32 v19, $2.000000000e+00  }
0x1e9: {  	v13 =	vmin.f32 v13, $6.000000000e+00;
	v17 =	vmax.f32 v17, $2.000000000e+00;
	v19 =	vmin.f32 v20, $6.000000000e+00  }
0x1ea: {  	v14 =	vmin.f32 v14, $6.000000000e+00;
	v15 =	vmin.f32 v15, $6.000000000e+00;
	v16 =	vmin.f32 v16, $6.000000000e+00  }
0x1eb: {  	v17 =	vmin.f32 v17, $6.000000000e+00;
	v19 =	vmul.f32 v19, v0;
	v18 =	vmin.f32 v18, $6.000000000e+00  }
0x1ec: {  	v13 =	vmul.f32 v13, v0;
	v14 =	vmul.f32 v14, v0;
	vm5 =	vle.f32 v10, v3  }
.Ltmp10:
0x1ed: {  	v15 =	vmul.f32 v15, v0;
	v16 =	vmul.f32 v16, v0;
	v19 =	vadd.f32 v19, v2;
	(pc) =	sbr.rel @p0 .LBB2_17-.Ltmp10, $4  }
0x1ee: {  	v20 =	vadd.f32 v13, v2;
	v17 =	vmul.f32 v17, v0;
	v18 =	vmul.f32 v18, v0  }
0x1ef: {  	vm7 =	vle.f32 v11, v3;
	v14 =	vadd.f32 v14, v2;
	v15 =	vadd.f32 v15, v2  }
0x1f0: {  	v13 =	vsel vm6, v2, v19;
	v19 =	vadd.f32 v16, v2;
	v16 =	vadd.f32 v18, v2  }
0x1f1: {  	s15 =	sadd.s32 $0x200, s15;
	v14 =	vsel vm4, v2, v14;
	v17 =	vadd.f32 v17, v2;
	v18 =	vsel vm3, v2, v20  }
0x1f2: {  	vm3 =	vgt.f32 v12, v5  }
0x1f3: {  	v12 =	vsel vm3, v6, v13  }
0x1f4: {  	vm3 =	vgt.f32 v9, v5;
	v9 =	vsel vm0, v6, v18;
	[tilespmem:s30+$0xFFFFFF90] =	vst v12  }
0x1f5: {  	vm0 =	vgt.f32 v7, v5;
	v12 =	vsel vm1, v2, v15;
	v7 =	vsel vm3, v6, v14;
	[tilespmem:s30+$0xFFFFFFA0] =	vst v9  }
0x1f6: {  	v9 =	vsel vm2, v2, v19;
	vm1 =	vgt.f32 v8, v5;
	v8 =	vsel vm0, v6, v12;
	[tilespmem:s30+$0xFFFFFFB0] =	vst v7  }
0x1f7: {  	v7 =	vsel vm5, v2, v16;
	vm0 =	vgt.f32 v10, v5;
	v9 =	vsel vm1, v6, v9;
	[tilespmem:s30+$0xFFFFFFC0] =	vst v8  }
0x1f8: {  	vm1 =	vgt.f32 v11, v5;
	v8 =	vsel vm7, v2, v17;
	v7 =	vsel vm0, v6, v7;
	[tilespmem:s30+$0xFFFFFFD0] =	vst v9  }
0x1f9: {  	v8 =	vsel vm1, v6, v8;
	[tilespmem:s30+$0xFFFFFFE0] =	vst v7  }
0x1fa: {  	[tilespmem:s30+$0xFFFFFFF0] =	vst v8  }
0x1fb: {  	v13 =	vld [tilespmem:s0+$0x0]  }
0x1fc: {  	v11 =	vld [tilespmem:s0+$0xFFFFFFA0]  }
0x1fd: {  	v9 =	vld [tilespmem:s0+$0xFFFFFFB0]  }
0x1fe: {  	v7 =	vld [tilespmem:s0+$0xFFFFFFC0]  }
0x1ff: {  	v8 =	vld [tilespmem:s0+$0xFFFFFFD0]  }
0x200: {  	v10 =	vld [tilespmem:s0+$0xFFFFFFE0]  }
0x201: {  	v12 =	vld [tilespmem:s0+$0xFFFFFF90];
	_ =	sdelay $0x1  }
0x202: {  	v14 =	vmul.f32 v13, v4;
	v15 =	vmul.f32 v11, v4  }
0x203: {  	v16 =	vmul.f32 v9, v4;
	v17 =	vmul.f32 v7, v4  }
0x204: {  	v18 =	vmul.f32 v8, v4;
	v19 =	vmul.f32 v10, v4;
	v14 =	vadd.f32 v14, v1  }
0x205: {  	v21 =	vmul.f32 v12, v4;
	v15 =	vadd.f32 v15, v1;
	v16 =	vadd.f32 v16, v1  }
0x206: {  	vm3 =	vle.f32 v11, v3;
	v17 =	vadd.f32 v17, v1;
	v18 =	vadd.f32 v18, v1  }
0x207: {  	vm0 =	vgt.f32 v11, v5;
	v11 =	vld [tilespmem:s0+$0xFFFFFFF0];
	v19 =	vadd.f32 v19, v1;
	v21 =	vadd.f32 v21, v1  }
0x208: {  	vm4 =	vle.f32 v9, v3;
	v14 =	vadd.f32 $8.388608000e+06, v14;
	v15 =	vadd.f32 $8.388608000e+06, v15  }
0x209: {  	vm1 =	vle.f32 v7, v3;
	v16 =	vadd.f32 $8.388608000e+06, v16;
	v17 =	vadd.f32 $8.388608000e+06, v17  }
0x20a: {  	vm6 =	vle.f32 v12, v3;
	v18 =	vadd.f32 $8.388608000e+06, v18;
	v19 =	vadd.f32 $8.388608000e+06, v19  }
0x20b: {  	vm2 =	vle.f32 v8, v3;
	v21 =	vadd.f32 $8.388608000e+06, v21;
	v14 =	vadd.f32 $-8.388608000e+06, v14  }
0x20c: {  	v20 =	vmul.f32 v11, v4;
	v15 =	vadd.f32 $-8.388608000e+06, v15;
	v16 =	vadd.f32 $-8.388608000e+06, v16  }
0x20d: {  	vm5 =	vle.f32 v13, v3;
	v21 =	vadd.f32 $-8.388608000e+06, v21;
	v17 =	vadd.f32 $-8.388608000e+06, v17  }
0x20e: {  	vm7 =	vle.f32 v11, v3;
	v18 =	vadd.f32 $-8.388608000e+06, v18;
	v20 =	vadd.f32 v20, v1  }
0x20f: {  	v14 =	vmax.f32 v14, $2.000000000e+00;
	v15 =	vmax.f32 v15, $2.000000000e+00;
	v16 =	vmax.f32 v16, $2.000000000e+00  }
0x210: {  	v17 =	vmax.f32 v17, $2.000000000e+00;
	v18 =	vmax.f32 v18, $2.000000000e+00;
	v14 =	vmin.f32 v14, $6.000000000e+00  }
0x211: {  	v20 =	vadd.f32 $8.388608000e+06, v20;
	v15 =	vmin.f32 v15, $6.000000000e+00;
	v14 =	vmul.f32 v14, v0  }
0x212: {  	v16 =	vmin.f32 v16, $6.000000000e+00;
	v17 =	vmin.f32 v17, $6.000000000e+00;
	v15 =	vmul.f32 v15, v0  }
0x213: {  	v18 =	vmin.f32 v18, $6.000000000e+00;
	v16 =	vmul.f32 v16, v0;
	v14 =	vadd.f32 v14, v2  }
0x214: {  	v17 =	vmul.f32 v17, v0;
	v18 =	vmul.f32 v18, v0;
	v63 =	vadd.f32 v15, v2  }
0x215: {  	v14 =	vsel vm5, v2, v14;
	vm5 =	vgt.f32 v13, v5;
	v13 =	vadd.f32 $-8.388608000e+06, v19  }
0x216: {  	v24 =	vadd.f32 v16, v2;
	v19 =	vadd.f32 $-8.388608000e+06, v20;
	v20 =	vmax.f32 v21, $2.000000000e+00  }
0x217: {  	v15 =	vadd.f32 v17, v2;
	v20 =	vmin.f32 v20, $6.000000000e+00;
	v13 =	vmax.f32 v13, $2.000000000e+00  }
0x218: {  	v19 =	vmax.f32 v19, $2.000000000e+00;
	v20 =	vmul.f32 v20, v0;
	v13 =	vmin.f32 v13, $6.000000000e+00  }
0x219: {  	v14 =	vsel vm5, v6, v14;
	v19 =	vmin.f32 v19, $6.000000000e+00;
	v22 =	vmul.f32 v13, v0  }
0x21a: {  	vm5 =	vle.f32 v10, v3;
	v20 =	vadd.f32 v20, v2;
	v23 =	vmul.f32 v19, v0  }
0x21b: {  	s1 =	simm.s32 $0x0;
	[tilespmem:s31+$0x0] =	vst v14;
	v14 =	vsel vm4, v2, v24;
	v19 =	vadd.f32 v18, v2;
	v16 =	vadd.f32 v22, v2  }
0x21c: {  	s15 =	simm.s32 $0x4470;
	s30 =	simm.s32 $0xC2F0;
	s0 =	simm.s32 $0x42F0;
	v18 =	vsel vm3, v2, v63;
	v13 =	vsel vm6, v2, v20;
	v17 =	vadd.f32 v23, v2  }
.LBB2_19:
0x21d: {  	v20 =	vld [tilespmem:s15+$0x0];
	s1 =	sadd.s32 $0x8, s1;
	v15 =	vsel vm1, v2, v15;
	v19 =	vsel vm2, v2, v19;
	v16 =	vsel vm5, v2, v16  }
0x21e: {  	vm1 =	vgt.f32 v12, v5;
	vm2 =	vgt.f32 v9, v5;
	v21 =	vld [tilespmem:s15+$0xFFFFFFA0];
	p0 =	slt.u32 s1, $0xF8;
	v12 =	vsel vm7, v2, v17  }
0x21f: {  	vm3 =	vgt.f32 v7, v5;
	vm4 =	vgt.f32 v8, v5;
	vm5 =	vgt.f32 v10, v5;
	v9 =	vld [tilespmem:s15+$0xFFFFFFB0]  }
0x220: {  	v10 =	vsel vm1, v6, v13;
	v13 =	vsel vm0, v6, v18;
	vm0 =	vgt.f32 v11, v5;
	v7 =	vld [tilespmem:s15+$0xFFFFFFC0]  }
0x221: {  	v14 =	vsel vm2, v6, v14;
	v15 =	vsel vm3, v6, v15;
	v17 =	vsel vm4, v6, v19;
	v8 =	vld [tilespmem:s15+$0xFFFFFFD0];
	[tilespmem:s31+$0xFFFFFF90] =	vst v10  }
0x222: {  	v10 =	vld [tilespmem:s15+$0xFFFFFFE0];
	v18 =	vmul.f32 v20, v4;
	[tilespmem:s31+$0xFFFFFFA0] =	vst v13;
	v13 =	vsel vm5, v6, v16;
	v16 =	vsel vm0, v6, v12  }
0x223: {  	v19 =	vmul.f32 v21, v4;
	vm3 =	vle.f32 v21, v3;
	vm0 =	vgt.f32 v21, v5;
	v11 =	vld [tilespmem:s15+$0xFFFFFFF0];
	[tilespmem:s31+$0xFFFFFFB0] =	vst v14  }
0x224: {  	v12 =	vld [tilespmem:s15+$0xFFFFFF90];
	v14 =	vmul.f32 v9, v4;
	vm4 =	vle.f32 v9, v3;
	v18 =	vadd.f32 v18, v1;
	[tilespmem:s31+$0xFFFFFFC0] =	vst v15  }
0x225: {  	v15 =	vadd.f32 v19, v1;
	v19 =	vmul.f32 v7, v4;
	vm1 =	vle.f32 v7, v3;
	[tilespmem:s31+$0xFFFFFFD0] =	vst v17  }
0x226: {  	v14 =	vadd.f32 v14, v1;
	v17 =	vmul.f32 v8, v4;
	v18 =	vadd.f32 $8.388608000e+06, v18;
	[tilespmem:s31+$0xFFFFFFE0] =	vst v13  }
0x227: {  	v13 =	vadd.f32 $8.388608000e+06, v15;
	v15 =	vadd.f32 v19, v1;
	v19 =	vmul.f32 v10, v4;
	[tilespmem:s31+$0xFFFFFFF0] =	vst v16  }
0x228: {  	v16 =	vadd.f32 v17, v1;
	v17 =	vmul.f32 v11, v4;
	v18 =	vadd.f32 $-8.388608000e+06, v18  }
0x229: {  	v14 =	vadd.f32 $8.388608000e+06, v14;
	v21 =	vmul.f32 v12, v4;
	v19 =	vadd.f32 v19, v1  }
0x22a: {  	v15 =	vadd.f32 $8.388608000e+06, v15;
	v17 =	vadd.f32 v17, v1;
	v18 =	vmax.f32 v18, $2.000000000e+00  }
0x22b: {  	v16 =	vadd.f32 $8.388608000e+06, v16;
	v21 =	vadd.f32 v21, v1;
	v18 =	vmin.f32 v18, $6.000000000e+00  }
0x22c: {  	v19 =	vadd.f32 $8.388608000e+06, v19;
	v17 =	vadd.f32 $8.388608000e+06, v17;
	v18 =	vmul.f32 v18, v0  }
0x22d: {  	vm6 =	vle.f32 v12, v3;
	v13 =	vadd.f32 $-8.388608000e+06, v13;
	v21 =	vadd.f32 $8.388608000e+06, v21  }
0x22e: {  	vm2 =	vle.f32 v8, v3;
	v14 =	vadd.f32 $-8.388608000e+06, v14;
	v18 =	vadd.f32 v18, v2  }
0x22f: {  	vm5 =	vle.f32 v20, v3;
	v15 =	vadd.f32 $-8.388608000e+06, v15;
	v21 =	vadd.f32 $-8.388608000e+06, v21  }
0x230: {  	v16 =	vadd.f32 $-8.388608000e+06, v16;
	v18 =	vsel vm5, v2, v18;
	vm5 =	vgt.f32 v20, v5  }
0x231: {  	s31 =	sadd.s32 $0x200, s31;
	v19 =	vadd.f32 $-8.388608000e+06, v19;
	v17 =	vadd.f32 $-8.388608000e+06, v17;
	v18 =	vsel vm5, v6, v18  }
0x232: {  	v13 =	vmax.f32 v13, $2.000000000e+00;
	v14 =	vmax.f32 v14, $2.000000000e+00;
	v20 =	vmax.f32 v21, $2.000000000e+00;
	[tilespmem:s31+$0x0] =	vst v18  }
0x233: {  	v15 =	vmax.f32 v15, $2.000000000e+00;
	v16 =	vmax.f32 v16, $2.000000000e+00;
	v18 =	vmax.f32 v19, $2.000000000e+00  }
0x234: {  	v13 =	vmin.f32 v13, $6.000000000e+00;
	v17 =	vmax.f32 v17, $2.000000000e+00;
	v19 =	vmin.f32 v20, $6.000000000e+00  }
0x235: {  	v14 =	vmin.f32 v14, $6.000000000e+00;
	v15 =	vmin.f32 v15, $6.000000000e+00;
	v16 =	vmin.f32 v16, $6.000000000e+00  }
0x236: {  	v17 =	vmin.f32 v17, $6.000000000e+00;
	v19 =	vmul.f32 v19, v0;
	v18 =	vmin.f32 v18, $6.000000000e+00  }
0x237: {  	v13 =	vmul.f32 v13, v0;
	v14 =	vmul.f32 v14, v0;
	vm5 =	vle.f32 v10, v3  }
.Ltmp11:
0x238: {  	v15 =	vmul.f32 v15, v0;
	v16 =	vmul.f32 v16, v0;
	v19 =	vadd.f32 v19, v2;
	(pc) =	sbr.rel @p0 .LBB2_19-.Ltmp11, $4  }
0x239: {  	v20 =	vadd.f32 v13, v2;
	v17 =	vmul.f32 v17, v0;
	v18 =	vmul.f32 v18, v0  }
0x23a: {  	vm7 =	vle.f32 v11, v3;
	v14 =	vadd.f32 v14, v2;
	v15 =	vadd.f32 v15, v2  }
0x23b: {  	v13 =	vsel vm6, v2, v19;
	v19 =	vadd.f32 v16, v2;
	v16 =	vadd.f32 v18, v2  }
0x23c: {  	s15 =	sadd.s32 $0x200, s15;
	v14 =	vsel vm4, v2, v14;
	v17 =	vadd.f32 v17, v2;
	v18 =	vsel vm3, v2, v20  }
0x23d: {  	vm3 =	vgt.f32 v12, v5  }
0x23e: {  	v12 =	vsel vm3, v6, v13  }
0x23f: {  	vm3 =	vgt.f32 v9, v5;
	v9 =	vsel vm0, v6, v18;
	[tilespmem:s31+$0xFFFFFF90] =	vst v12  }
0x240: {  	vm0 =	vgt.f32 v7, v5;
	v12 =	vsel vm1, v2, v15;
	v7 =	vsel vm3, v6, v14;
	[tilespmem:s31+$0xFFFFFFA0] =	vst v9  }
0x241: {  	v9 =	vsel vm2, v2, v19;
	vm1 =	vgt.f32 v8, v5;
	v8 =	vsel vm0, v6, v12;
	[tilespmem:s31+$0xFFFFFFB0] =	vst v7  }
0x242: {  	v7 =	vsel vm5, v2, v16;
	vm0 =	vgt.f32 v10, v5;
	v9 =	vsel vm1, v6, v9;
	[tilespmem:s31+$0xFFFFFFC0] =	vst v8  }
0x243: {  	vm1 =	vgt.f32 v11, v5;
	v8 =	vsel vm7, v2, v17;
	v7 =	vsel vm0, v6, v7;
	[tilespmem:s31+$0xFFFFFFD0] =	vst v9  }
0x244: {  	v8 =	vsel vm1, v6, v8;
	[tilespmem:s31+$0xFFFFFFE0] =	vst v7  }
0x245: {  	[tilespmem:s31+$0xFFFFFFF0] =	vst v8  }
0x246: {  	v13 =	vld [tilespmem:s0+$0x0]  }
0x247: {  	v11 =	vld [tilespmem:s0+$0xFFFFFFA0]  }
0x248: {  	v9 =	vld [tilespmem:s0+$0xFFFFFFB0]  }
0x249: {  	v7 =	vld [tilespmem:s0+$0xFFFFFFC0]  }
0x24a: {  	v8 =	vld [tilespmem:s0+$0xFFFFFFD0]  }
0x24b: {  	v10 =	vld [tilespmem:s0+$0xFFFFFFE0]  }
0x24c: {  	v12 =	vld [tilespmem:s0+$0xFFFFFF90];
	_ =	sdelay $0x1  }
0x24d: {  	v14 =	vmul.f32 v13, v4;
	v15 =	vmul.f32 v11, v4  }
0x24e: {  	v16 =	vmul.f32 v9, v4;
	v17 =	vmul.f32 v7, v4  }
0x24f: {  	v18 =	vmul.f32 v8, v4;
	v19 =	vmul.f32 v10, v4;
	v14 =	vadd.f32 v14, v1  }
0x250: {  	v21 =	vmul.f32 v12, v4;
	v15 =	vadd.f32 v15, v1;
	v16 =	vadd.f32 v16, v1  }
0x251: {  	vm3 =	vle.f32 v11, v3;
	v17 =	vadd.f32 v17, v1;
	v18 =	vadd.f32 v18, v1  }
0x252: {  	vm0 =	vgt.f32 v11, v5;
	v11 =	vld [tilespmem:s0+$0xFFFFFFF0];
	v19 =	vadd.f32 v19, v1;
	v21 =	vadd.f32 v21, v1  }
0x253: {  	vm4 =	vle.f32 v9, v3;
	v14 =	vadd.f32 $8.388608000e+06, v14;
	v15 =	vadd.f32 $8.388608000e+06, v15  }
0x254: {  	vm1 =	vle.f32 v7, v3;
	v16 =	vadd.f32 $8.388608000e+06, v16;
	v17 =	vadd.f32 $8.388608000e+06, v17  }
0x255: {  	vm6 =	vle.f32 v12, v3;
	v18 =	vadd.f32 $8.388608000e+06, v18;
	v19 =	vadd.f32 $8.388608000e+06, v19  }
0x256: {  	vm2 =	vle.f32 v8, v3;
	v21 =	vadd.f32 $8.388608000e+06, v21;
	v14 =	vadd.f32 $-8.388608000e+06, v14  }
0x257: {  	v20 =	vmul.f32 v11, v4;
	v15 =	vadd.f32 $-8.388608000e+06, v15;
	v16 =	vadd.f32 $-8.388608000e+06, v16  }
0x258: {  	vm5 =	vle.f32 v13, v3;
	v21 =	vadd.f32 $-8.388608000e+06, v21;
	v17 =	vadd.f32 $-8.388608000e+06, v17  }
0x259: {  	vm7 =	vle.f32 v11, v3;
	v18 =	vadd.f32 $-8.388608000e+06, v18;
	v20 =	vadd.f32 v20, v1  }
0x25a: {  	v14 =	vmax.f32 v14, $2.000000000e+00;
	v15 =	vmax.f32 v15, $2.000000000e+00;
	v16 =	vmax.f32 v16, $2.000000000e+00  }
0x25b: {  	v17 =	vmax.f32 v17, $2.000000000e+00;
	v18 =	vmax.f32 v18, $2.000000000e+00;
	v14 =	vmin.f32 v14, $6.000000000e+00  }
0x25c: {  	v20 =	vadd.f32 $8.388608000e+06, v20;
	v15 =	vmin.f32 v15, $6.000000000e+00;
	v14 =	vmul.f32 v14, v0  }
0x25d: {  	v16 =	vmin.f32 v16, $6.000000000e+00;
	v17 =	vmin.f32 v17, $6.000000000e+00;
	v15 =	vmul.f32 v15, v0  }
0x25e: {  	v18 =	vmin.f32 v18, $6.000000000e+00;
	v16 =	vmul.f32 v16, v0;
	v14 =	vadd.f32 v14, v2  }
0x25f: {  	v17 =	vmul.f32 v17, v0;
	v63 =	vmul.f32 v18, v0;
	v15 =	vadd.f32 v15, v2  }
0x260: {  	v14 =	vsel vm5, v2, v14;
	vm5 =	vgt.f32 v13, v5;
	v13 =	vadd.f32 $-8.388608000e+06, v19  }
0x261: {  	v19 =	vadd.f32 $-8.388608000e+06, v20;
	v20 =	vsel vm5, v6, v14;
	v14 =	vmax.f32 v21, $2.000000000e+00  }
0x262: {  	v23 =	vadd.f32 v16, v2;
	v13 =	vmax.f32 v13, $2.000000000e+00;
	v14 =	vmin.f32 v14, $6.000000000e+00  }
0x263: {  	v19 =	vmax.f32 v19, $2.000000000e+00;
	v14 =	vmul.f32 v14, v0;
	v13 =	vmin.f32 v13, $6.000000000e+00  }
0x264: {  	v18 =	vadd.f32 v17, v2;
	v19 =	vmin.f32 v19, $6.000000000e+00;
	v13 =	vmul.f32 v13, v0  }
0x265: {  	v17 =	vsel vm3, v2, v15;
	v22 =	vmul.f32 v19, v0;
	v14 =	vadd.f32 v14, v2  }
0x266: {  	vm5 =	vle.f32 v10, v3;
	v19 =	vadd.f32 v63, v2;
	v16 =	vadd.f32 v13, v2  }
0x267: {  	s1 =	simm.s32 $0x44F0;
	s0 =	simm.s32 $0x0;
	[tilespmem:s30+$0x0] =	vst v20;
	v13 =	vsel vm4, v2, v23;
	v15 =	vadd.f32 v22, v2;
	v14 =	vsel vm6, v2, v14  }
.LBB2_21:
0x268: {  	v20 =	vld [tilespmem:s1+$0x0];
	s0 =	sadd.s32 $0x8, s0;
	v18 =	vsel vm1, v2, v18;
	v19 =	vsel vm2, v2, v19;
	v16 =	vsel vm5, v2, v16  }
0x269: {  	vm1 =	vgt.f32 v12, v5;
	vm2 =	vgt.f32 v9, v5;
	v21 =	vld [tilespmem:s1+$0xFFFFFFA0];
	p0 =	slt.u32 s0, $0xF8;
	v12 =	vsel vm7, v2, v15  }
0x26a: {  	vm3 =	vgt.f32 v7, v5;
	vm4 =	vgt.f32 v8, v5;
	vm5 =	vgt.f32 v10, v5;
	v9 =	vld [tilespmem:s1+$0xFFFFFFB0]  }
0x26b: {  	v10 =	vsel vm1, v6, v14;
	v14 =	vsel vm0, v6, v17;
	vm0 =	vgt.f32 v11, v5;
	v7 =	vld [tilespmem:s1+$0xFFFFFFC0]  }
0x26c: {  	v13 =	vsel vm2, v6, v13;
	v15 =	vsel vm3, v6, v18;
	v17 =	vsel vm4, v6, v19;
	v8 =	vld [tilespmem:s1+$0xFFFFFFD0];
	[tilespmem:s30+$0xFFFFFF90] =	vst v10  }
0x26d: {  	v10 =	vld [tilespmem:s1+$0xFFFFFFE0];
	v18 =	vmul.f32 v20, v4;
	[tilespmem:s30+$0xFFFFFFA0] =	vst v14;
	v14 =	vsel vm5, v6, v16;
	v16 =	vsel vm0, v6, v12  }
0x26e: {  	v19 =	vmul.f32 v21, v4;
	vm3 =	vle.f32 v21, v3;
	vm0 =	vgt.f32 v21, v5;
	v11 =	vld [tilespmem:s1+$0xFFFFFFF0];
	[tilespmem:s30+$0xFFFFFFB0] =	vst v13  }
0x26f: {  	v12 =	vld [tilespmem:s1+$0xFFFFFF90];
	v13 =	vmul.f32 v9, v4;
	vm4 =	vle.f32 v9, v3;
	v18 =	vadd.f32 v18, v1;
	[tilespmem:s30+$0xFFFFFFC0] =	vst v15  }
0x270: {  	v15 =	vadd.f32 v19, v1;
	v19 =	vmul.f32 v7, v4;
	vm1 =	vle.f32 v7, v3;
	[tilespmem:s30+$0xFFFFFFD0] =	vst v17  }
0x271: {  	v13 =	vadd.f32 v13, v1;
	v17 =	vmul.f32 v8, v4;
	v18 =	vadd.f32 $8.388608000e+06, v18;
	[tilespmem:s30+$0xFFFFFFE0] =	vst v14  }
0x272: {  	v14 =	vadd.f32 $8.388608000e+06, v15;
	v15 =	vadd.f32 v19, v1;
	v19 =	vmul.f32 v10, v4;
	[tilespmem:s30+$0xFFFFFFF0] =	vst v16  }
0x273: {  	v16 =	vadd.f32 v17, v1;
	v17 =	vmul.f32 v11, v4;
	v18 =	vadd.f32 $-8.388608000e+06, v18  }
0x274: {  	v13 =	vadd.f32 $8.388608000e+06, v13;
	v21 =	vmul.f32 v12, v4;
	v19 =	vadd.f32 v19, v1  }
0x275: {  	v15 =	vadd.f32 $8.388608000e+06, v15;
	v17 =	vadd.f32 v17, v1;
	v18 =	vmax.f32 v18, $2.000000000e+00  }
0x276: {  	v16 =	vadd.f32 $8.388608000e+06, v16;
	v21 =	vadd.f32 v21, v1;
	v18 =	vmin.f32 v18, $6.000000000e+00  }
0x277: {  	v19 =	vadd.f32 $8.388608000e+06, v19;
	v17 =	vadd.f32 $8.388608000e+06, v17;
	v18 =	vmul.f32 v18, v0  }
0x278: {  	vm6 =	vle.f32 v12, v3;
	v14 =	vadd.f32 $-8.388608000e+06, v14;
	v21 =	vadd.f32 $8.388608000e+06, v21  }
0x279: {  	vm2 =	vle.f32 v8, v3;
	v13 =	vadd.f32 $-8.388608000e+06, v13;
	v18 =	vadd.f32 v18, v2  }
0x27a: {  	vm5 =	vle.f32 v20, v3;
	v15 =	vadd.f32 $-8.388608000e+06, v15;
	v21 =	vadd.f32 $-8.388608000e+06, v21  }
0x27b: {  	v16 =	vadd.f32 $-8.388608000e+06, v16;
	v18 =	vsel vm5, v2, v18;
	vm5 =	vgt.f32 v20, v5  }
0x27c: {  	s30 =	sadd.s32 $0x200, s30;
	v19 =	vadd.f32 $-8.388608000e+06, v19;
	v17 =	vadd.f32 $-8.388608000e+06, v17;
	v18 =	vsel vm5, v6, v18  }
0x27d: {  	v14 =	vmax.f32 v14, $2.000000000e+00;
	v13 =	vmax.f32 v13, $2.000000000e+00;
	v20 =	vmax.f32 v21, $2.000000000e+00;
	[tilespmem:s30+$0x0] =	vst v18  }
0x27e: {  	v15 =	vmax.f32 v15, $2.000000000e+00;
	v16 =	vmax.f32 v16, $2.000000000e+00;
	v18 =	vmax.f32 v19, $2.000000000e+00  }
0x27f: {  	v14 =	vmin.f32 v14, $6.000000000e+00;
	v17 =	vmax.f32 v17, $2.000000000e+00;
	v19 =	vmin.f32 v20, $6.000000000e+00  }
0x280: {  	v13 =	vmin.f32 v13, $6.000000000e+00;
	v15 =	vmin.f32 v15, $6.000000000e+00;
	v16 =	vmin.f32 v16, $6.000000000e+00  }
0x281: {  	v17 =	vmin.f32 v17, $6.000000000e+00;
	v19 =	vmul.f32 v19, v0;
	v18 =	vmin.f32 v18, $6.000000000e+00  }
0x282: {  	v14 =	vmul.f32 v14, v0;
	v13 =	vmul.f32 v13, v0;
	vm5 =	vle.f32 v10, v3  }
.Ltmp12:
0x283: {  	v15 =	vmul.f32 v15, v0;
	v16 =	vmul.f32 v16, v0;
	v19 =	vadd.f32 v19, v2;
	(pc) =	sbr.rel @p0 .LBB2_21-.Ltmp12, $4  }
0x284: {  	v20 =	vadd.f32 v14, v2;
	v22 =	vmul.f32 v17, v0;
	v21 =	vmul.f32 v18, v0  }
0x285: {  	vm7 =	vle.f32 v11, v3;
	v13 =	vadd.f32 v13, v2;
	v18 =	vadd.f32 v15, v2  }
0x286: {  	v14 =	vsel vm6, v2, v19;
	v19 =	vadd.f32 v16, v2;
	v16 =	vadd.f32 v21, v2  }
0x287: {  	s1 =	sadd.s32 $0x200, s1;
	v13 =	vsel vm4, v2, v13;
	v17 =	vsel vm3, v2, v20;
	v15 =	vadd.f32 v22, v2  }
0x288: {  	vm3 =	vgt.f32 v12, v5;
	v61 =	vsel vm0, v6, v17  }
0x289: {  	vm11 =	vgt.f32 v9, v5;
	v12 =	vsel vm3, v6, v14;
	[tilespmem:s30+$0xFFFFFFA0] =	vst v61  }
0x28a: {  	v62 =	vsel vm1, v2, v18;
	vm12 =	vgt.f32 v7, v5;
	v7 =	vsel vm11, v6, v13;
	[tilespmem:s30+$0xFFFFFF90] =	vst v12  }
0x28b: {  	v63 =	vsel vm2, v2, v19;
	vm13 =	vgt.f32 v8, v5;
	p0 =	seq.s32 s28, $0x3;
	v8 =	vsel vm12, v6, v62;
	[tilespmem:s30+$0xFFFFFFB0] =	vst v7  }
.Ltmp13:
0x28c: {  	vm14 =	vgt.f32 v10, v5;
	v9 =	vsel vm13, v6, v63;
	v7 =	vsel vm5, v2, v16;
	[tilespmem:s30+$0xFFFFFFC0] =	vst v8;
	(pc) =	sbr.rel @p0 .LBB2_24-.Ltmp13, $4  }
0x28d: {  	vm15 =	vgt.f32 v11, v5;
	v8 =	vsel vm7, v2, v15;
	[tilespmem:s30+$0xFFFFFFD0] =	vst v9;
	v7 =	vsel vm14, v6, v7  }
0x28e: {  	s0 =	sor.u32 s29, s4;
	v8 =	vsel vm15, v6, v8;
	[tilespmem:s30+$0xFFFFFFE0] =	vst v7  }
0x28f: {  	s0 =	sadd.s32 s0, s11;
	[tilespmem:s30+$0xFFFFFFF0] =	vst v8  }
0x290: {  	[hbm4b:s0+s16] =	stream.strided.scatter [tilespmem:s24], [sflag:$0x4], $0x4000, s17, s16, $0x38;
	[tilespmem:$0x10100] =	vst v63  }
.Ltmp14:
0x291: {  	(pc) =	sbr.rel .LBB2_2-.Ltmp14, $3  }
0x292: {  	_ =	sdelay $0x1  }
0x293: {  	s0 =	sadd.s32 s29, s12;
	s28 =	sadd.s32 $0x1, s28  }
0x294: {  	[tilespmem:s19], [sflag:$0x2] =	stream.strided.gather [hbm4b:s0+s16], $0x4000, s17, s16, $0x38;
	[tilespmem:$0x10100] =	vst v63  }
.LBB2_25:
0x295: {  	_ =	sfence.sel $0x180000  }
0x296: {  	[bflag:$0x0] =	sbarrier.arrive $0xFFFF  }
0x297: {  	_ =	strace $0x90000047  }
0x298: {  	s0 =	stileid.u32;
	[bflag:$0x2] =	sbarrier.arrive $0xFFFF  }
0x299: {  	p0 =	sne.s32 s0, $0x0;
	s0 =	rddreg [dreg:$0x2]  }
0x29a: {  	s0 =	sadd.s32 @!p0 $0x100000, s0  }
0x29b: {  	[sflag:s0] =	ssyncadd.tile.s32 @!p0 $0x1;
	_ =	shalt  }
.Lfunc_end2:
_tile_overlayer_lowered:
.L_overlay_start_2:
0x29c: {  	(tag) =	ssettag $0x2  }
0x29d: {  	s0 =	rddreg [dreg:$0x0];
	s2 =	stileid.u32  }
0x29e: {  	s1 =	rddreg [dreg:$0x1];
	p0 =	sne.s32 s2, $0x0  }
0x29f: {  	s3 =	rddreg [dreg:$0x2];
	[bflag:$0x3] =	sbarrier.arrive $0xFFFF;
	s2 =	simm.s32 @!p0 $0x1C05  }
0x2a0: {  	[timem:s3], [sflag:s2] =	dma.local @!p0 [hbm:s0], s1  }
0x2a1: {  	s0 =	simm.s32 @!p0 $0x5  }
0x2a2: {  	_ =	swait.ge @!p0 [sflag:s0], s1  }
0x2a3: {  	s1 =	ssub.s32 @!p0 $0x0, s1;
	[sflag:s0] =	ssyncset.done @!p0 $0x0  }
0x2a4: {  	[sflag:s0] =	ssyncadd.s32 @!p0 s1  }
0x2a5: {  	[bflag:$0x3] =	sbarrier.arrive $0xFFFF  }
0x2a6: {  	_ =	shalt  }

</sc_bundles>
